<compile_context>
chip_gen: v7x
topology: tpu7x:2x2x1
jax: 0.10.2.dev20260603
libtpu: 0.0.44.dev20260713+nightly
codegen_flags: <defaults>
</compile_context>

<pallas_src>
import functools

import jax
import jax.numpy as jnp
from jax import lax
from jax.experimental import pallas as pl
from jax.experimental.pallas import tpu as pltpu
from jax.experimental.pallas import tpu_sc as plsc

NC = 2
NS = 16
NW = NC * NS
LANES = 16
CHUNK = 128


def _sc_mesh():
    return plsc.VectorSubcoreMesh(
        core_axis_name="c", subcore_axis_name="s", num_cores=NC, num_subcores=NS
    )


def _make_repack_kernel(e, n, n_pad, ept):

    smask = (1 << (n.bit_length() - 1)) - 1
    tmask = (1 << ((n_pad - n).bit_length() - 1)) - 1

    def body(ei_ref, src_ref, dst_ref):
        ei = ei_ref[...]
        pos = (NW - 1) * ept + lax.broadcasted_iota(jnp.int32, (1, ept), 1)
        valid = pos < e
        src_ref[...] = jnp.where(valid, ei[0:1, :], pos & smask)
        dst_ref[...] = jnp.where(valid, ei[1:2, :], n + (pos & tmask))

    return pl.pallas_call(
        body,
        grid=(1,),
        in_specs=[pl.BlockSpec((2, ept), lambda i: (0, NW - 1))],
        out_specs=[
            pl.BlockSpec((1, ept), lambda i: (0, 0)),
            pl.BlockSpec((1, ept), lambda i: (0, 0)),
        ],
        out_shape=[
            jax.ShapeDtypeStruct((1, ept), jnp.int32),
            jax.ShapeDtypeStruct((1, ept), jnp.int32),
        ],
    )


def _make_deg_kernel(n_pad, ept):

    @functools.partial(
        pl.kernel,
        out_type=jax.ShapeDtypeStruct((NW, n_pad), jnp.float32),
        mesh=_sc_mesh(),
        compiler_params=pltpu.CompilerParams(needs_layout_passes=False),
        scratch_types=[
            pltpu.VMEM((ept,), jnp.int32),
            pltpu.VMEM((n_pad,), jnp.float32),
        ],
    )
    def deg_kernel(ei_hbm, tdst_hbm, degp_hbm, idx_v, cnt_v):
        cid = lax.axis_index("c")
        sid = lax.axis_index("s")
        wid = cid * NS + sid
        zeros = jnp.zeros((LANES,), jnp.float32)

        @pl.loop(0, n_pad // LANES, unroll=8)
        def _(i):
            cnt_v[pl.ds(i * LANES, LANES)] = zeros

        @pl.when(wid < NW - 1)
        def _():
            pltpu.sync_copy(ei_hbm.at[1, pl.ds(wid * ept, ept)], idx_v)

        @pl.when(wid == NW - 1)
        def _():
            pltpu.sync_copy(tdst_hbm.at[0], idx_v)

        ones = jnp.ones((LANES,), jnp.float32)

        @pl.loop(0, ept // LANES, unroll=8)
        def _(i):
            idx = idx_v[pl.ds(i * LANES, LANES)]
            plsc.addupdate_scatter(cnt_v, [idx], ones)

        pltpu.sync_copy(cnt_v, degp_hbm.at[wid])

    return deg_kernel


def _make_scatter_kernel(n, d, n_pad, cpt):
    z_rows_per_tile = n_pad // NS
    ept = cpt * CHUNK

    @functools.partial(
        pl.kernel,
        out_type=jax.ShapeDtypeStruct((NC, n_pad, d), jnp.float32),
        mesh=_sc_mesh(),
        scratch_types=[
            pltpu.VMEM((ept,), jnp.int32),
            pltpu.VMEM((2, CHUNK), jnp.int32),
            pltpu.VMEM((CHUNK, d), jnp.float32),
            pltpu.VMEM((CHUNK, d), jnp.float32),
            pltpu.VMEM((32, d), jnp.float32),
            pltpu.VMEM_SHARED((n_pad, d), jnp.float32),
            pltpu.SemaphoreType.DMA,
            pltpu.SemaphoreType.DMA,
            pltpu.SemaphoreType.DMA,
            pltpu.SemaphoreType.DMA,
        ],
    )
    def scatter_kernel(y_hbm, ei_hbm, tsrc_hbm, tdst_hbm, z_hbm,
                       src_v, dstr, buf0, buf1, zbuf, z_sh,
                       gsem0, gsem1, dsem0, dsem1):
        cid = lax.axis_index("c")
        sid = lax.axis_index("s")
        wid = cid * NS + sid
        is_tail = wid == NW - 1

        @pl.when(jnp.logical_not(is_tail))
        def _():
            pltpu.sync_copy(ei_hbm.at[0, pl.ds(wid * ept, ept)], src_v)

        @pl.when(is_tail)
        def _():
            pltpu.sync_copy(tsrc_hbm.at[0], src_v)

        def issue_dst(j, s):
            @pl.when(jnp.logical_not(is_tail))
            def _():
                pltpu.async_copy(
                    ei_hbm.at[1, pl.ds(wid * ept + j * CHUNK, CHUNK)],
                    dstr.at[s], dsems[s])

            @pl.when(is_tail)
            def _():
                pltpu.async_copy(tdst_hbm.at[0, pl.ds(j * CHUNK, CHUNK)],
                                 dstr.at[s], dsems[s])

        bufs = (buf0, buf1)
        gsems = (gsem0, gsem1)
        dsems = (dsem0, dsem1)
        for s in (0, 1):
            issue_dst(s, s)
            pltpu.async_copy(y_hbm.at[src_v.at[pl.ds(s * CHUNK, CHUNK)]],
                             bufs[s], gsems[s])

        zeros = jnp.zeros((LANES,), jnp.float32)

        @pl.loop(0, 32, unroll=4)
        def _(r):
            for k in range(d // LANES):
                zbuf[r, pl.ds(k * LANES, LANES)] = zeros

        base = sid * z_rows_per_tile
        for k in range(z_rows_per_tile // 32):
            pltpu.sync_copy(zbuf, z_sh.at[pl.ds(base + k * 32, 32)])
        plsc.subcore_barrier()

        @pl.loop(0, cpt, step=2)
        def _(jo):
            for b in range(2):
                j = jo + b
                pltpu.make_async_copy(ei_hbm.at[1, pl.ds(0, CHUNK)],
                                      dstr.at[b], dsems[b]).wait()
                pltpu.make_async_copy(y_hbm.at[src_v.at[pl.ds(0, CHUNK)]],
                                      bufs[b], gsems[b]).wait()
                pltpu.sync_copy(bufs[b], z_sh.at[dstr.at[b]], add=True)

                @pl.when(j + 2 < cpt)
                def _():
                    issue_dst(j + 2, b)
                    pltpu.async_copy(
                        y_hbm.at[src_v.at[pl.ds((j + 2) * CHUNK, CHUNK)]],
                        bufs[b], gsems[b])

        plsc.subcore_barrier()
        pltpu.sync_copy(z_sh.at[pl.ds(base, z_rows_per_tile)],
                        z_hbm.at[cid, pl.ds(base, z_rows_per_tile)])

    return scatter_kernel


def _make_prep_kernel(n, d, n_pad):

    def body(x_ref, w_ref, degp_ref, y_ref, dinv_ref):
        cnt = jnp.sum(degp_ref[...], axis=0)[:n]
        dinv = lax.rsqrt(cnt + 1.0)
        xw = jnp.dot(x_ref[...], w_ref[...], preferred_element_type=jnp.float32)
        y_ref[...] = xw * dinv[:, None]
        dinv_ref[...] = dinv[:, None]

    return pl.pallas_call(
        body,
        grid=(1,),
        in_specs=[
            pl.BlockSpec((n, d), lambda i: (0, 0)),
            pl.BlockSpec((d, d), lambda i: (0, 0)),
            pl.BlockSpec((NW, n_pad), lambda i: (0, 0)),
        ],
        out_specs=[
            pl.BlockSpec((n, d), lambda i: (0, 0)),
            pl.BlockSpec((n, 1), lambda i: (0, 0)),
        ],
        out_shape=[
            jax.ShapeDtypeStruct((n, d), jnp.float32),
            jax.ShapeDtypeStruct((n, 1), jnp.float32),
        ],
    )


def _make_head_kernel(n, d):

    def body(z_ref, y_ref, dinv_ref, bc_ref, w1_ref, b1_ref, w2_ref, b2_ref,
             o_ref):
        zsum = z_ref[0] + z_ref[1] + y_ref[...]
        h = jnp.maximum(zsum * dinv_ref[...] + bc_ref[...], 0.0)
        h = jnp.maximum(
            jnp.dot(h, w1_ref[...], preferred_element_type=jnp.float32)
            + b1_ref[...], 0.0)
        h = jnp.maximum(
            jnp.dot(h, w2_ref[...], preferred_element_type=jnp.float32)
            + b2_ref[...], 0.0)
        o_ref[...] = jax.nn.sigmoid(h)

    return pl.pallas_call(
        body,
        grid=(1,),
        in_specs=[
            pl.BlockSpec((NC, n, d), lambda i: (0, 0, 0)),
            pl.BlockSpec((n, d), lambda i: (0, 0)),
            pl.BlockSpec((n, 1), lambda i: (0, 0)),
            pl.BlockSpec((1, d), lambda i: (0, 0)),
            pl.BlockSpec((d, d), lambda i: (0, 0)),
            pl.BlockSpec((1, d), lambda i: (0, 0)),
            pl.BlockSpec((d, 1), lambda i: (0, 0)),
            pl.BlockSpec((1, 1), lambda i: (0, 0)),
        ],
        out_specs=pl.BlockSpec((n, 1), lambda i: (0, 0)),
        out_shape=jax.ShapeDtypeStruct((n, 1), jnp.float32),
    )


def kernel(x, edge_index, W_conv, b_conv, W_lin1, b_lin1, W_lin2, b_lin2):
    n, d = x.shape
    e = edge_index.shape[1]

    cpt = pl.cdiv(e, NW * CHUNK)
    cpt = cpt + (cpt % 2)
    ept = cpt * CHUNK
    n_pad = ((n + NS * CHUNK - 1) // (NS * CHUNK)) * (NS * CHUNK)
    if n_pad == n:
        n_pad += NS * CHUNK

    tsrc, tdst = _make_repack_kernel(e, n, n_pad, ept)(edge_index)
    degp = _make_deg_kernel(n_pad, ept)(edge_index, tdst)
    y, dinv = _make_prep_kernel(n, d, n_pad)(x, W_conv, degp)
    z = _make_scatter_kernel(n, d, n_pad, cpt)(y, edge_index, tsrc, tdst)
    out = _make_head_kernel(n, d)(
        z, y, dinv, b_conv.reshape(1, d), W_lin1, b_lin1.reshape(1, d),
        W_lin2, b_lin2.reshape(1, 1))
    return out

# --- scband reference (transcript-rebuilt; emitter-appended) ---
"""Pipeline reference for scband-decoder-30751965839569 (READ-ONLY COPY).

The authoritative reference and input builder live on the scoring server;
editing this copy changes nothing except your own understanding.
"""

import jax, jax.numpy as jnp
import numpy as np

N = 10000
E = 320000
D = 128


def setup_inputs(seed: int = 0) -> dict:
    key = jax.random.key(seed)
    k1, k2, k3, k4, k5 = jax.random.split(key, 5)
    x = jax.random.normal(k1, (N, D), dtype=jnp.float32)
    edge_index = jax.random.randint(k2, (2, E), 0, N, dtype=jnp.int32)
    W_conv = jax.random.normal(k3, (D, D), dtype=jnp.float32) * 0.05
    b_conv = jnp.zeros((D,), dtype=jnp.float32)
    W_lin1 = jax.random.normal(k4, (D, D), dtype=jnp.float32) * 0.05
    b_lin1 = jnp.zeros((D,), dtype=jnp.float32)
    W_lin2 = jax.random.normal(k5, (D, 1), dtype=jnp.float32) * 0.05
    b_lin2 = jnp.zeros((1,), dtype=jnp.float32)
    return {
        "x": x,
        "edge_index": edge_index,
        "W_conv": W_conv,
        "b_conv": b_conv,
        "W_lin1": W_lin1,
        "b_lin1": b_lin1,
        "W_lin2": W_lin2,
        "b_lin2": b_lin2,
    }


def gcn_conv(x, edge_index, W, b):
    # GCNConv with self-loops and symmetric normalization (PyG semantics)
    n = x.shape[0]
    loop = jnp.arange(n, dtype=edge_index.dtype)
    src = jnp.concatenate([edge_index[0], loop])
    dst = jnp.concatenate([edge_index[1], loop])
    deg = jnp.zeros((n,), dtype=x.dtype).at[dst].add(1.0)
    deg_inv_sqrt = jnp.where(deg > 0, 1.0 / jnp.sqrt(deg), 0.0)
    norm = deg_inv_sqrt[src] * deg_inv_sqrt[dst]
    xw = x @ W
    msg = xw[src] * norm[:, None]
    out = jnp.zeros_like(xw).at[dst].add(msg)
    return out + b


def reference(x, edge_index, W_conv, b_conv, W_lin1, b_lin1, W_lin2, b_lin2):
    h = jax.nn.relu(gcn_conv(x, edge_index, W_conv, b_conv))
    h = jax.nn.relu(h @ W_lin1 + b_lin1)
    h = jax.nn.relu(h @ W_lin2 + b_lin2)
    return jax.nn.sigmoid(h)

if __name__ == "__main__":
    import jax
    _d = setup_inputs()
    print(jax.jit(kernel)(*tuple(_d.values())))

</pallas_src>

<mosaic_0001>
#map = affine_map<(d0, d1) -> (0, 0)>
#map1 = affine_map<(d0, d1) -> (0, 0, 0)>
module attributes {stable_mosaic.version = 14 : i64} {
  func.func @scatter_kernel(%arg0: i32, %arg1: i32, %arg2: memref<10000x128xf32, #tpu.memory_space<hbm>>, %arg3: memref<2x320000xi32, #tpu.memory_space<hbm>>, %arg4: memref<1x10240xi32, #tpu.memory_space<hbm>>, %arg5: memref<1x10240xi32, #tpu.memory_space<hbm>>, %arg6: memref<2x10240x128xf32, #tpu.memory_space<hbm>>, %arg7: memref<10240xi32, #tpu.memory_space<vmem>>, %arg8: memref<2x128xi32, #tpu.memory_space<vmem>>, %arg9: memref<128x128xf32, #tpu.memory_space<vmem>>, %arg10: memref<128x128xf32, #tpu.memory_space<vmem>>, %arg11: memref<32x128xf32, #tpu.memory_space<vmem>>, %arg12: memref<10240x128xf32, #tpu.memory_space<vmem_shared>>, %arg13: memref<!tpu.dma_semaphore, #tpu.memory_space<semaphore_mem>>, %arg14: memref<!tpu.dma_semaphore, #tpu.memory_space<semaphore_mem>>, %arg15: memref<!tpu.dma_semaphore, #tpu.memory_space<semaphore_mem>>, %arg16: memref<!tpu.dma_semaphore, #tpu.memory_space<semaphore_mem>>) attributes {dimension_semantics = [#tpu.dimension_semantics<core_parallel>, #tpu.dimension_semantics<subcore_parallel>], iteration_bounds = array<i64: 2, 16>, scalar_prefetch = 0 : i64, scratch_operands = 10 : i64, tpu.core_type = #tpu.core_type<sc_vector_subcore>, window_params = [{transform_indices = #map}, {transform_indices = #map}, {transform_indices = #map}, {transform_indices = #map}, {transform_indices = #map1}]} {
    %mul3A = arith.constant 16 : i32
    %mul3A_0 = arith.muli %arg0, %mul3A : i32
    %add3A = arith.addi %mul3A_0, %arg1 : i32
    %eq3A = arith.constant 31 : i32
    %eq3A_1 = arith.cmpi eq, %add3A, %eq3A : i32
    %not3A = arith.constant true
    %not3A_2 = arith.xori %eq3A_1, %not3A : i1
    %convert_element_type3A = arith.extui %not3A_2 : i1 to i32
    %cond3A = arith.constant 0 : i32
    %cond3A_3 = arith.cmpi ne, %convert_element_type3A, %cond3A : i32
    scf.if %cond3A_3 {
      %mul3A_85 = arith.constant 10240 : i32
      %mul3A_86 = arith.muli %add3A, %mul3A_85 : i32
      %run_scoped3A = arith.constant 0 : i32
      "tpu.region"() ({
        %run_scoped3A_87 = tpu.sem_alloc : memref<!tpu.dma_semaphore, #tpu.memory_space<semaphore_mem>>
        %dma_start3A_88 = tpu.memref_slice %arg3[%run_scoped3A, %mul3A_86] : memref<2x320000xi32, #tpu.memory_space<hbm>> -> memref<1x10240xi32, #tpu.memory_space<hbm>>
        %dma_start3A_89 = tpu.memref_squeeze %dma_start3A_88 : memref<1x10240xi32, #tpu.memory_space<hbm>> -> memref<10240xi32, #tpu.memory_space<hbm>>
        %dma_start3A_90 = tpu.memref_slice %arg3[%run_scoped3A, %mul3A_86] : memref<2x320000xi32, #tpu.memory_space<hbm>> -> memref<1x10240xi32, #tpu.memory_space<hbm>>
        %dma_start3A_91 = tpu.memref_squeeze %dma_start3A_90 : memref<1x10240xi32, #tpu.memory_space<hbm>> -> memref<10240xi32, #tpu.memory_space<hbm>>
        tpu.enqueue_dma source(%dma_start3A_91 : memref<10240xi32, #tpu.memory_space<hbm>>) target(%arg7 : memref<10240xi32, #tpu.memory_space<vmem>>) target_semaphore(%run_scoped3A_87 : memref<!tpu.dma_semaphore, #tpu.memory_space<semaphore_mem>>)
        %dma_wait3A = tpu.memref_slice %arg3[%run_scoped3A, %mul3A_86] : memref<2x320000xi32, #tpu.memory_space<hbm>> -> memref<1x10240xi32, #tpu.memory_space<hbm>>
        %dma_wait3A_92 = tpu.memref_squeeze %dma_wait3A : memref<1x10240xi32, #tpu.memory_space<hbm>> -> memref<10240xi32, #tpu.memory_space<hbm>>
        %dma_wait3A_93 = tpu.memref_slice %arg3[%run_scoped3A, %mul3A_86] : memref<2x320000xi32, #tpu.memory_space<hbm>> -> memref<1x10240xi32, #tpu.memory_space<hbm>>
        %dma_wait3A_94 = tpu.memref_squeeze %dma_wait3A_93 : memref<1x10240xi32, #tpu.memory_space<hbm>> -> memref<10240xi32, #tpu.memory_space<hbm>>
        tpu.wait_dma2 semaphore(%run_scoped3A_87 : memref<!tpu.dma_semaphore, #tpu.memory_space<semaphore_mem>>) src(%dma_wait3A_94 : memref<10240xi32, #tpu.memory_space<hbm>>) dst(%arg7 : memref<10240xi32, #tpu.memory_space<vmem>>)
        tpu.yield
      }) : () -> ()
    } else {
    }
    %convert_element_type3A_4 = arith.extui %eq3A_1 : i1 to i32
    %cond3A_5 = arith.constant 0 : i32
    %cond3A_6 = arith.cmpi ne, %convert_element_type3A_4, %cond3A_5 : i32
    scf.if %cond3A_6 {
      %run_scoped3A = arith.constant 0 : i32
      "tpu.region"() ({
        %run_scoped3A_85 = tpu.sem_alloc : memref<!tpu.dma_semaphore, #tpu.memory_space<semaphore_mem>>
        %dma_start3A_86 = arith.constant 0 : i32
        %dma_start3A_87 = tpu.memref_slice %arg4[%run_scoped3A, %dma_start3A_86] : memref<1x10240xi32, #tpu.memory_space<hbm>> -> memref<1x10240xi32, #tpu.memory_space<hbm>>
        %dma_start3A_88 = tpu.memref_squeeze %dma_start3A_87 : memref<1x10240xi32, #tpu.memory_space<hbm>> -> memref<10240xi32, #tpu.memory_space<hbm>>
        %dma_start3A_89 = arith.constant 0 : i32
        %dma_start3A_90 = tpu.memref_slice %arg4[%run_scoped3A, %dma_start3A_89] : memref<1x10240xi32, #tpu.memory_space<hbm>> -> memref<1x10240xi32, #tpu.memory_space<hbm>>
        %dma_start3A_91 = tpu.memref_squeeze %dma_start3A_90 : memref<1x10240xi32, #tpu.memory_space<hbm>> -> memref<10240xi32, #tpu.memory_space<hbm>>
        tpu.enqueue_dma source(%dma_start3A_91 : memref<10240xi32, #tpu.memory_space<hbm>>) target(%arg7 : memref<10240xi32, #tpu.memory_space<vmem>>) target_semaphore(%run_scoped3A_85 : memref<!tpu.dma_semaphore, #tpu.memory_space<semaphore_mem>>)
        %dma_wait3A = arith.constant 0 : i32
        %dma_wait3A_92 = tpu.memref_slice %arg4[%run_scoped3A, %dma_wait3A] : memref<1x10240xi32, #tpu.memory_space<hbm>> -> memref<1x10240xi32, #tpu.memory_space<hbm>>
        %dma_wait3A_93 = tpu.memref_squeeze %dma_wait3A_92 : memref<1x10240xi32, #tpu.memory_space<hbm>> -> memref<10240xi32, #tpu.memory_space<hbm>>
        %dma_wait3A_94 = arith.constant 0 : i32
        %dma_wait3A_95 = tpu.memref_slice %arg4[%run_scoped3A, %dma_wait3A_94] : memref<1x10240xi32, #tpu.memory_space<hbm>> -> memref<1x10240xi32, #tpu.memory_space<hbm>>
        %dma_wait3A_96 = tpu.memref_squeeze %dma_wait3A_95 : memref<1x10240xi32, #tpu.memory_space<hbm>> -> memref<10240xi32, #tpu.memory_space<hbm>>
        tpu.wait_dma2 semaphore(%run_scoped3A_85 : memref<!tpu.dma_semaphore, #tpu.memory_space<semaphore_mem>>) src(%dma_wait3A_96 : memref<10240xi32, #tpu.memory_space<hbm>>) dst(%arg7 : memref<10240xi32, #tpu.memory_space<vmem>>)
        tpu.yield
      }) : () -> ()
    } else {
    }
    %not3A_7 = arith.constant true
    %not3A_8 = arith.xori %eq3A_1, %not3A_7 : i1
    %convert_element_type3A_9 = arith.extui %not3A_8 : i1 to i32
    %cond3A_10 = arith.constant 0 : i32
    %cond3A_11 = arith.cmpi ne, %convert_element_type3A_9, %cond3A_10 : i32
    scf.if %cond3A_11 {
      %mul3A_85 = arith.constant 10240 : i32
      %mul3A_86 = arith.muli %add3A, %mul3A_85 : i32
      %add3A_87 = arith.constant 0 : i32
      %add3A_88 = arith.addi %mul3A_86, %add3A_87 : i32
      %dma_start3A_89 = arith.constant 1 : i32
      %dma_start3A_90 = arith.constant 0 : i32
      %dma_start3A_91 = arith.constant 0 : i32
      %dma_start3A_92 = tpu.memref_slice %arg8[%dma_start3A_90, %dma_start3A_91] : memref<2x128xi32, #tpu.memory_space<vmem>> -> memref<1x128xi32, #tpu.memory_space<vmem>>
      %dma_start3A_93 = tpu.memref_squeeze %dma_start3A_92 : memref<1x128xi32, #tpu.memory_space<vmem>> -> memref<128xi32, #tpu.memory_space<vmem>>
      %dma_start3A_94 = tpu.memref_slice %arg3[%dma_start3A_89, %add3A_88] : memref<2x320000xi32, #tpu.memory_space<hbm>> -> memref<1x128xi32, #tpu.memory_space<hbm>>
      %dma_start3A_95 = tpu.memref_squeeze %dma_start3A_94 : memref<1x128xi32, #tpu.memory_space<hbm>> -> memref<128xi32, #tpu.memory_space<hbm>>
      %dma_start3A_96 = arith.constant 0 : i32
      %dma_start3A_97 = tpu.memref_slice %arg8[%dma_start3A_90, %dma_start3A_96] : memref<2x128xi32, #tpu.memory_space<vmem>> -> memref<1x128xi32, #tpu.memory_space<vmem>>
      %dma_start3A_98 = tpu.memref_squeeze %dma_start3A_97 : memref<1x128xi32, #tpu.memory_space<vmem>> -> memref<128xi32, #tpu.memory_space<vmem>>
      %dma_start3A_99 = tpu.memref_slice %arg3[%dma_start3A_89, %add3A_88] : memref<2x320000xi32, #tpu.memory_space<hbm>> -> memref<1x128xi32, #tpu.memory_space<hbm>>
      %dma_start3A_100 = tpu.memref_squeeze %dma_start3A_99 : memref<1x128xi32, #tpu.memory_space<hbm>> -> memref<128xi32, #tpu.memory_space<hbm>>
      tpu.enqueue_dma source(%dma_start3A_100 : memref<128xi32, #tpu.memory_space<hbm>>) target(%dma_start3A_98 : memref<128xi32, #tpu.memory_space<vmem>>) target_semaphore(%arg15 : memref<!tpu.dma_semaphore, #tpu.memory_space<semaphore_mem>>)
    } else {
    }
    %convert_element_type3A_12 = arith.extui %eq3A_1 : i1 to i32
    %cond3A_13 = arith.constant 0 : i32
    %cond3A_14 = arith.cmpi ne, %convert_element_type3A_12, %cond3A_13 : i32
    scf.if %cond3A_14 {
      %dma_start3A_85 = arith.constant 0 : i32
      %dma_start3A_86 = arith.constant 0 : i32
      %dma_start3A_87 = arith.constant 0 : i32
      %dma_start3A_88 = tpu.memref_slice %arg8[%dma_start3A_86, %dma_start3A_87] : memref<2x128xi32, #tpu.memory_space<vmem>> -> memref<1x128xi32, #tpu.memory_space<vmem>>
      %dma_start3A_89 = tpu.memref_squeeze %dma_start3A_88 : memref<1x128xi32, #tpu.memory_space<vmem>> -> memref<128xi32, #tpu.memory_space<vmem>>
      %dma_start3A_90 = arith.constant 0 : i32
      %dma_start3A_91 = tpu.memref_slice %arg5[%dma_start3A_85, %dma_start3A_90] : memref<1x10240xi32, #tpu.memory_space<hbm>> -> memref<1x128xi32, #tpu.memory_space<hbm>>
      %dma_start3A_92 = tpu.memref_squeeze %dma_start3A_91 : memref<1x128xi32, #tpu.memory_space<hbm>> -> memref<128xi32, #tpu.memory_space<hbm>>
      %dma_start3A_93 = arith.constant 0 : i32
      %dma_start3A_94 = tpu.memref_slice %arg8[%dma_start3A_86, %dma_start3A_93] : memref<2x128xi32, #tpu.memory_space<vmem>> -> memref<1x128xi32, #tpu.memory_space<vmem>>
      %dma_start3A_95 = tpu.memref_squeeze %dma_start3A_94 : memref<1x128xi32, #tpu.memory_space<vmem>> -> memref<128xi32, #tpu.memory_space<vmem>>
      %dma_start3A_96 = arith.constant 0 : i32
      %dma_start3A_97 = tpu.memref_slice %arg5[%dma_start3A_85, %dma_start3A_96] : memref<1x10240xi32, #tpu.memory_space<hbm>> -> memref<1x128xi32, #tpu.memory_space<hbm>>
      %dma_start3A_98 = tpu.memref_squeeze %dma_start3A_97 : memref<1x128xi32, #tpu.memory_space<hbm>> -> memref<128xi32, #tpu.memory_space<hbm>>
      tpu.enqueue_dma source(%dma_start3A_98 : memref<128xi32, #tpu.memory_space<hbm>>) target(%dma_start3A_95 : memref<128xi32, #tpu.memory_space<vmem>>) target_semaphore(%arg15 : memref<!tpu.dma_semaphore, #tpu.memory_space<semaphore_mem>>)
    } else {
    }
    %dma_start3A = arith.constant 0 : i32
    %dma_start3A_15 = tpu.memref_slice %arg7[%dma_start3A] : memref<10240xi32, #tpu.memory_space<vmem>> -> memref<128xi32, #tpu.memory_space<vmem>>
    %dma_start3A_16 = arith.constant 0 : i32
    %dma_start3A_17 = arith.constant 0 : i32
    %dma_start3A_18 = tpu.memref_slice %arg2[%dma_start3A_16, %dma_start3A_17] : memref<10000x128xf32, #tpu.memory_space<hbm>> -> memref<10000x128xf32, #tpu.memory_space<hbm>>
    tpu.enqueue_indirect_dma source(%dma_start3A_18 : memref<10000x128xf32, #tpu.memory_space<hbm>>) target(%arg9 : memref<128x128xf32, #tpu.memory_space<vmem>>) offsets(%dma_start3A_15 : memref<128xi32, #tpu.memory_space<vmem>>) semaphore(%arg13 : memref<!tpu.dma_semaphore, #tpu.memory_space<semaphore_mem>>)
    %not3A_19 = arith.constant true
    %not3A_20 = arith.xori %eq3A_1, %not3A_19 : i1
    %convert_element_type3A_21 = arith.extui %not3A_20 : i1 to i32
    %cond3A_22 = arith.constant 0 : i32
    %cond3A_23 = arith.cmpi ne, %convert_element_type3A_21, %cond3A_22 : i32
    scf.if %cond3A_23 {
      %mul3A_85 = arith.constant 10240 : i32
      %mul3A_86 = arith.muli %add3A, %mul3A_85 : i32
      %add3A_87 = arith.constant 128 : i32
      %add3A_88 = arith.addi %mul3A_86, %add3A_87 : i32
      %dma_start3A_89 = arith.constant 1 : i32
      %dma_start3A_90 = arith.constant 1 : i32
      %dma_start3A_91 = arith.constant 0 : i32
      %dma_start3A_92 = tpu.memref_slice %arg8[%dma_start3A_90, %dma_start3A_91] : memref<2x128xi32, #tpu.memory_space<vmem>> -> memref<1x128xi32, #tpu.memory_space<vmem>>
      %dma_start3A_93 = tpu.memref_squeeze %dma_start3A_92 : memref<1x128xi32, #tpu.memory_space<vmem>> -> memref<128xi32, #tpu.memory_space<vmem>>
      %dma_start3A_94 = tpu.memref_slice %arg3[%dma_start3A_89, %add3A_88] : memref<2x320000xi32, #tpu.memory_space<hbm>> -> memref<1x128xi32, #tpu.memory_space<hbm>>
      %dma_start3A_95 = tpu.memref_squeeze %dma_start3A_94 : memref<1x128xi32, #tpu.memory_space<hbm>> -> memref<128xi32, #tpu.memory_space<hbm>>
      %dma_start3A_96 = arith.constant 0 : i32
      %dma_start3A_97 = tpu.memref_slice %arg8[%dma_start3A_90, %dma_start3A_96] : memref<2x128xi32, #tpu.memory_space<vmem>> -> memref<1x128xi32, #tpu.memory_space<vmem>>
      %dma_start3A_98 = tpu.memref_squeeze %dma_start3A_97 : memref<1x128xi32, #tpu.memory_space<vmem>> -> memref<128xi32, #tpu.memory_space<vmem>>
      %dma_start3A_99 = tpu.memref_slice %arg3[%dma_start3A_89, %add3A_88] : memref<2x320000xi32, #tpu.memory_space<hbm>> -> memref<1x128xi32, #tpu.memory_space<hbm>>
      %dma_start3A_100 = tpu.memref_squeeze %dma_start3A_99 : memref<1x128xi32, #tpu.memory_space<hbm>> -> memref<128xi32, #tpu.memory_space<hbm>>
      tpu.enqueue_dma source(%dma_start3A_100 : memref<128xi32, #tpu.memory_space<hbm>>) target(%dma_start3A_98 : memref<128xi32, #tpu.memory_space<vmem>>) target_semaphore(%arg16 : memref<!tpu.dma_semaphore, #tpu.memory_space<semaphore_mem>>)
    } else {
    }
    %convert_element_type3A_24 = arith.extui %eq3A_1 : i1 to i32
    %cond3A_25 = arith.constant 0 : i32
    %cond3A_26 = arith.cmpi ne, %convert_element_type3A_24, %cond3A_25 : i32
    scf.if %cond3A_26 {
      %dma_start3A_85 = arith.constant 0 : i32
      %dma_start3A_86 = arith.constant 1 : i32
      %dma_start3A_87 = arith.constant 0 : i32
      %dma_start3A_88 = tpu.memref_slice %arg8[%dma_start3A_86, %dma_start3A_87] : memref<2x128xi32, #tpu.memory_space<vmem>> -> memref<1x128xi32, #tpu.memory_space<vmem>>
      %dma_start3A_89 = tpu.memref_squeeze %dma_start3A_88 : memref<1x128xi32, #tpu.memory_space<vmem>> -> memref<128xi32, #tpu.memory_space<vmem>>
      %dma_start3A_90 = arith.constant 128 : i32
      %dma_start3A_91 = tpu.memref_slice %arg5[%dma_start3A_85, %dma_start3A_90] : memref<1x10240xi32, #tpu.memory_space<hbm>> -> memref<1x128xi32, #tpu.memory_space<hbm>>
      %dma_start3A_92 = tpu.memref_squeeze %dma_start3A_91 : memref<1x128xi32, #tpu.memory_space<hbm>> -> memref<128xi32, #tpu.memory_space<hbm>>
      %dma_start3A_93 = arith.constant 0 : i32
      %dma_start3A_94 = tpu.memref_slice %arg8[%dma_start3A_86, %dma_start3A_93] : memref<2x128xi32, #tpu.memory_space<vmem>> -> memref<1x128xi32, #tpu.memory_space<vmem>>
      %dma_start3A_95 = tpu.memref_squeeze %dma_start3A_94 : memref<1x128xi32, #tpu.memory_space<vmem>> -> memref<128xi32, #tpu.memory_space<vmem>>
      %dma_start3A_96 = arith.constant 128 : i32
      %dma_start3A_97 = tpu.memref_slice %arg5[%dma_start3A_85, %dma_start3A_96] : memref<1x10240xi32, #tpu.memory_space<hbm>> -> memref<1x128xi32, #tpu.memory_space<hbm>>
      %dma_start3A_98 = tpu.memref_squeeze %dma_start3A_97 : memref<1x128xi32, #tpu.memory_space<hbm>> -> memref<128xi32, #tpu.memory_space<hbm>>
      tpu.enqueue_dma source(%dma_start3A_98 : memref<128xi32, #tpu.memory_space<hbm>>) target(%dma_start3A_95 : memref<128xi32, #tpu.memory_space<vmem>>) target_semaphore(%arg16 : memref<!tpu.dma_semaphore, #tpu.memory_space<semaphore_mem>>)
    } else {
    }
    %dma_start3A_27 = arith.constant 128 : i32
    %dma_start3A_28 = tpu.memref_slice %arg7[%dma_start3A_27] : memref<10240xi32, #tpu.memory_space<vmem>> -> memref<128xi32, #tpu.memory_space<vmem>>
    %dma_start3A_29 = arith.constant 0 : i32
    %dma_start3A_30 = arith.constant 0 : i32
    %dma_start3A_31 = tpu.memref_slice %arg2[%dma_start3A_29, %dma_start3A_30] : memref<10000x128xf32, #tpu.memory_space<hbm>> -> memref<10000x128xf32, #tpu.memory_space<hbm>>
    tpu.enqueue_indirect_dma source(%dma_start3A_31 : memref<10000x128xf32, #tpu.memory_space<hbm>>) target(%arg10 : memref<128x128xf32, #tpu.memory_space<vmem>>) offsets(%dma_start3A_28 : memref<128xi32, #tpu.memory_space<vmem>>) semaphore(%arg14 : memref<!tpu.dma_semaphore, #tpu.memory_space<semaphore_mem>>)
    %broadcast_in_dim3A = arith.constant 0.000000e+00 : f32
    %broadcast_in_dim3A_32 = vector.broadcast %broadcast_in_dim3A : f32 to vector<16xf32>
    %scan3A = arith.constant 0 : i32
    %scan3A_33 = arith.constant 32 : i32
    %scan3A_34 = arith.addi %scan3A, %scan3A_33 : i32
    %scan3A_35 = arith.constant 4 : i32
    scf.for %scan3A_85 = %scan3A to %scan3A_34 step %scan3A_35  : i32 {
      %mul3A_86 = arith.constant 1 : i32
      %mul3A_87 = arith.muli %scan3A_85, %mul3A_86 : i32
      %add3A_88 = arith.constant 0 : i32
      %add3A_89 = arith.addi %add3A_88, %mul3A_87 : i32
      %swap3A = arith.index_cast %add3A_89 : i32 to index
      %swap3A_90 = arith.constant 0 : index
      %swap3A_91 = tpu.vector_load %arg11[%swap3A, %swap3A_90] {strides = array<i32>} : memref<32x128xf32, #tpu.memory_space<vmem>>, vector<1x16xf32>,
      %swap3A_92 = vector.shape_cast %swap3A_91 : vector<1x16xf32> to vector<16xf32>
      %swap3A_93 = vector.shape_cast %broadcast_in_dim3A_32 : vector<16xf32> to vector<1x16xf32>
      tpu.vector_store %arg11[%swap3A, %swap3A_90], %swap3A_93 {strides = array<i32>} : memref<32x128xf32, #tpu.memory_space<vmem>>, vector<1x16xf32>,
      %swap3A_94 = arith.index_cast %add3A_89 : i32 to index
      %swap3A_95 = arith.constant 16 : index
      %swap3A_96 = tpu.vector_load %arg11[%swap3A_94, %swap3A_95] {strides = array<i32>} : memref<32x128xf32, #tpu.memory_space<vmem>>, vector<1x16xf32>,
      %swap3A_97 = vector.shape_cast %swap3A_96 : vector<1x16xf32> to vector<16xf32>
      %swap3A_98 = vector.shape_cast %broadcast_in_dim3A_32 : vector<16xf32> to vector<1x16xf32>
      tpu.vector_store %arg11[%swap3A_94, %swap3A_95], %swap3A_98 {strides = array<i32>} : memref<32x128xf32, #tpu.memory_space<vmem>>, vector<1x16xf32>,
      %swap3A_99 = arith.index_cast %add3A_89 : i32 to index
      %swap3A_100 = arith.constant 32 : index
      %swap3A_101 = tpu.vector_load %arg11[%swap3A_99, %swap3A_100] {strides = array<i32>} : memref<32x128xf32, #tpu.memory_space<vmem>>, vector<1x16xf32>,
      %swap3A_102 = vector.shape_cast %swap3A_101 : vector<1x16xf32> to vector<16xf32>
      %swap3A_103 = vector.shape_cast %broadcast_in_dim3A_32 : vector<16xf32> to vector<1x16xf32>
      tpu.vector_store %arg11[%swap3A_99, %swap3A_100], %swap3A_103 {strides = array<i32>} : memref<32x128xf32, #tpu.memory_space<vmem>>, vector<1x16xf32>,
      %swap3A_104 = arith.index_cast %add3A_89 : i32 to index
      %swap3A_105 = arith.constant 48 : index
      %swap3A_106 = tpu.vector_load %arg11[%swap3A_104, %swap3A_105] {strides = array<i32>} : memref<32x128xf32, #tpu.memory_space<vmem>>, vector<1x16xf32>,
      %swap3A_107 = vector.shape_cast %swap3A_106 : vector<1x16xf32> to vector<16xf32>
      %swap3A_108 = vector.shape_cast %broadcast_in_dim3A_32 : vector<16xf32> to vector<1x16xf32>
      tpu.vector_store %arg11[%swap3A_104, %swap3A_105], %swap3A_108 {strides = array<i32>} : memref<32x128xf32, #tpu.memory_space<vmem>>, vector<1x16xf32>,
      %swap3A_109 = arith.index_cast %add3A_89 : i32 to index
      %swap3A_110 = arith.constant 64 : index
      %swap3A_111 = tpu.vector_load %arg11[%swap3A_109, %swap3A_110] {strides = array<i32>} : memref<32x128xf32, #tpu.memory_space<vmem>>, vector<1x16xf32>,
      %swap3A_112 = vector.shape_cast %swap3A_111 : vector<1x16xf32> to vector<16xf32>
      %swap3A_113 = vector.shape_cast %broadcast_in_dim3A_32 : vector<16xf32> to vector<1x16xf32>
      tpu.vector_store %arg11[%swap3A_109, %swap3A_110], %swap3A_113 {strides = array<i32>} : memref<32x128xf32, #tpu.memory_space<vmem>>, vector<1x16xf32>,
      %swap3A_114 = arith.index_cast %add3A_89 : i32 to index
      %swap3A_115 = arith.constant 80 : index
      %swap3A_116 = tpu.vector_load %arg11[%swap3A_114, %swap3A_115] {strides = array<i32>} : memref<32x128xf32, #tpu.memory_space<vmem>>, vector<1x16xf32>,
      %swap3A_117 = vector.shape_cast %swap3A_116 : vector<1x16xf32> to vector<16xf32>
      %swap3A_118 = vector.shape_cast %broadcast_in_dim3A_32 : vector<16xf32> to vector<1x16xf32>
      tpu.vector_store %arg11[%swap3A_114, %swap3A_115], %swap3A_118 {strides = array<i32>} : memref<32x128xf32, #tpu.memory_space<vmem>>, vector<1x16xf32>,
      %swap3A_119 = arith.index_cast %add3A_89 : i32 to index
      %swap3A_120 = arith.constant 96 : index
      %swap3A_121 = tpu.vector_load %arg11[%swap3A_119, %swap3A_120] {strides = array<i32>} : memref<32x128xf32, #tpu.memory_space<vmem>>, vector<1x16xf32>,
      %swap3A_122 = vector.shape_cast %swap3A_121 : vector<1x16xf32> to vector<16xf32>
      %swap3A_123 = vector.shape_cast %broadcast_in_dim3A_32 : vector<16xf32> to vector<1x16xf32>
      tpu.vector_store %arg11[%swap3A_119, %swap3A_120], %swap3A_123 {strides = array<i32>} : memref<32x128xf32, #tpu.memory_space<vmem>>, vector<1x16xf32>,
      %swap3A_124 = arith.index_cast %add3A_89 : i32 to index
      %swap3A_125 = arith.constant 112 : index
      %swap3A_126 = tpu.vector_load %arg11[%swap3A_124, %swap3A_125] {strides = array<i32>} : memref<32x128xf32, #tpu.memory_space<vmem>>, vector<1x16xf32>,
      %swap3A_127 = vector.shape_cast %swap3A_126 : vector<1x16xf32> to vector<16xf32>
      %swap3A_128 = vector.shape_cast %broadcast_in_dim3A_32 : vector<16xf32> to vector<1x16xf32>
      tpu.vector_store %arg11[%swap3A_124, %swap3A_125], %swap3A_128 {strides = array<i32>} : memref<32x128xf32, #tpu.memory_space<vmem>>, vector<1x16xf32>,
      %scan3A_129 = arith.constant 1 : i32
      %scan3A_130 = arith.addi %scan3A_85, %scan3A_129 : i32
      %mul3A_131 = arith.constant 1 : i32
      %mul3A_132 = arith.muli %scan3A_130, %mul3A_131 : i32
      %add3A_133 = arith.constant 0 : i32
      %add3A_134 = arith.addi %add3A_133, %mul3A_132 : i32
      %swap3A_135 = arith.index_cast %add3A_134 : i32 to index
      %swap3A_136 = arith.constant 0 : index
      %swap3A_137 = tpu.vector_load %arg11[%swap3A_135, %swap3A_136] {strides = array<i32>} : memref<32x128xf32, #tpu.memory_space<vmem>>, vector<1x16xf32>,
      %swap3A_138 = vector.shape_cast %swap3A_137 : vector<1x16xf32> to vector<16xf32>
      %swap3A_139 = vector.shape_cast %broadcast_in_dim3A_32 : vector<16xf32> to vector<1x16xf32>
      tpu.vector_store %arg11[%swap3A_135, %swap3A_136], %swap3A_139 {strides = array<i32>} : memref<32x128xf32, #tpu.memory_space<vmem>>, vector<1x16xf32>,
      %swap3A_140 = arith.index_cast %add3A_134 : i32 to index
      %swap3A_141 = arith.constant 16 : index
      %swap3A_142 = tpu.vector_load %arg11[%swap3A_140, %swap3A_141] {strides = array<i32>} : memref<32x128xf32, #tpu.memory_space<vmem>>, vector<1x16xf32>,
      %swap3A_143 = vector.shape_cast %swap3A_142 : vector<1x16xf32> to vector<16xf32>
      %swap3A_144 = vector.shape_cast %broadcast_in_dim3A_32 : vector<16xf32> to vector<1x16xf32>
      tpu.vector_store %arg11[%swap3A_140, %swap3A_141], %swap3A_144 {strides = array<i32>} : memref<32x128xf32, #tpu.memory_space<vmem>>, vector<1x16xf32>,
      %swap3A_145 = arith.index_cast %add3A_134 : i32 to index
      %swap3A_146 = arith.constant 32 : index
      %swap3A_147 = tpu.vector_load %arg11[%swap3A_145, %swap3A_146] {strides = array<i32>} : memref<32x128xf32, #tpu.memory_space<vmem>>, vector<1x16xf32>,
      %swap3A_148 = vector.shape_cast %swap3A_147 : vector<1x16xf32> to vector<16xf32>
      %swap3A_149 = vector.shape_cast %broadcast_in_dim3A_32 : vector<16xf32> to vector<1x16xf32>
      tpu.vector_store %arg11[%swap3A_145, %swap3A_146], %swap3A_149 {strides = array<i32>} : memref<32x128xf32, #tpu.memory_space<vmem>>, vector<1x16xf32>,
      %swap3A_150 = arith.index_cast %add3A_134 : i32 to index
      %swap3A_151 = arith.constant 48 : index
      %swap3A_152 = tpu.vector_load %arg11[%swap3A_150, %swap3A_151] {strides = array<i32>} : memref<32x128xf32, #tpu.memory_space<vmem>>, vector<1x16xf32>,
      %swap3A_153 = vector.shape_cast %swap3A_152 : vector<1x16xf32> to vector<16xf32>
      %swap3A_154 = vector.shape_cast %broadcast_in_dim3A_32 : vector<16xf32> to vector<1x16xf32>
      tpu.vector_store %arg11[%swap3A_150, %swap3A_151], %swap3A_154 {strides = array<i32>} : memref<32x128xf32, #tpu.memory_space<vmem>>, vector<1x16xf32>,
      %swap3A_155 = arith.index_cast %add3A_134 : i32 to index
      %swap3A_156 = arith.constant 64 : index
      %swap3A_157 = tpu.vector_load %arg11[%swap3A_155, %swap3A_156] {strides = array<i32>} : memref<32x128xf32, #tpu.memory_space<vmem>>, vector<1x16xf32>,
      %swap3A_158 = vector.shape_cast %swap3A_157 : vector<1x16xf32> to vector<16xf32>
      %swap3A_159 = vector.shape_cast %broadcast_in_dim3A_32 : vector<16xf32> to vector<1x16xf32>
      tpu.vector_store %arg11[%swap3A_155, %swap3A_156], %swap3A_159 {strides = array<i32>} : memref<32x128xf32, #tpu.memory_space<vmem>>, vector<1x16xf32>,
      %swap3A_160 = arith.index_cast %add3A_134 : i32 to index
      %swap3A_161 = arith.constant 80 : index
      %swap3A_162 = tpu.vector_load %arg11[%swap3A_160, %swap3A_161] {strides = array<i32>} : memref<32x128xf32, #tpu.memory_space<vmem>>, vector<1x16xf32>,
      %swap3A_163 = vector.shape_cast %swap3A_162 : vector<1x16xf32> to vector<16xf32>
      %swap3A_164 = vector.shape_cast %broadcast_in_dim3A_32 : vector<16xf32> to vector<1x16xf32>
      tpu.vector_store %arg11[%swap3A_160, %swap3A_161], %swap3A_164 {strides = array<i32>} : memref<32x128xf32, #tpu.memory_space<vmem>>, vector<1x16xf32>,
      %swap3A_165 = arith.index_cast %add3A_134 : i32 to index
      %swap3A_166 = arith.constant 96 : index
      %swap3A_167 = tpu.vector_load %arg11[%swap3A_165, %swap3A_166] {strides = array<i32>} : memref<32x128xf32, #tpu.memory_space<vmem>>, vector<1x16xf32>,
      %swap3A_168 = vector.shape_cast %swap3A_167 : vector<1x16xf32> to vector<16xf32>
      %swap3A_169 = vector.shape_cast %broadcast_in_dim3A_32 : vector<16xf32> to vector<1x16xf32>
      tpu.vector_store %arg11[%swap3A_165, %swap3A_166], %swap3A_169 {strides = array<i32>} : memref<32x128xf32, #tpu.memory_space<vmem>>, vector<1x16xf32>,
      %swap3A_170 = arith.index_cast %add3A_134 : i32 to index
      %swap3A_171 = arith.constant 112 : index
      %swap3A_172 = tpu.vector_load %arg11[%swap3A_170, %swap3A_171] {strides = array<i32>} : memref<32x128xf32, #tpu.memory_space<vmem>>, vector<1x16xf32>,
      %swap3A_173 = vector.shape_cast %swap3A_172 : vector<1x16xf32> to vector<16xf32>
      %swap3A_174 = vector.shape_cast %broadcast_in_dim3A_32 : vector<16xf32> to vector<1x16xf32>
      tpu.vector_store %arg11[%swap3A_170, %swap3A_171], %swap3A_174 {strides = array<i32>} : memref<32x128xf32, #tpu.memory_space<vmem>>, vector<1x16xf32>,
      %scan3A_175 = arith.constant 2 : i32
      %scan3A_176 = arith.addi %scan3A_85, %scan3A_175 : i32
      %mul3A_177 = arith.constant 1 : i32
      %mul3A_178 = arith.muli %scan3A_176, %mul3A_177 : i32
      %add3A_179 = arith.constant 0 : i32
      %add3A_180 = arith.addi %add3A_179, %mul3A_178 : i32
      %swap3A_181 = arith.index_cast %add3A_180 : i32 to index
      %swap3A_182 = arith.constant 0 : index
      %swap3A_183 = tpu.vector_load %arg11[%swap3A_181, %swap3A_182] {strides = array<i32>} : memref<32x128xf32, #tpu.memory_space<vmem>>, vector<1x16xf32>,
      %swap3A_184 = vector.shape_cast %swap3A_183 : vector<1x16xf32> to vector<16xf32>
      %swap3A_185 = vector.shape_cast %broadcast_in_dim3A_32 : vector<16xf32> to vector<1x16xf32>
      tpu.vector_store %arg11[%swap3A_181, %swap3A_182], %swap3A_185 {strides = array<i32>} : memref<32x128xf32, #tpu.memory_space<vmem>>, vector<1x16xf32>,
      %swap3A_186 = arith.index_cast %add3A_180 : i32 to index
      %swap3A_187 = arith.constant 16 : index
      %swap3A_188 = tpu.vector_load %arg11[%swap3A_186, %swap3A_187] {strides = array<i32>} : memref<32x128xf32, #tpu.memory_space<vmem>>, vector<1x16xf32>,
      %swap3A_189 = vector.shape_cast %swap3A_188 : vector<1x16xf32> to vector<16xf32>
      %swap3A_190 = vector.shape_cast %broadcast_in_dim3A_32 : vector<16xf32> to vector<1x16xf32>
      tpu.vector_store %arg11[%swap3A_186, %swap3A_187], %swap3A_190 {strides = array<i32>} : memref<32x128xf32, #tpu.memory_space<vmem>>, vector<1x16xf32>,
      %swap3A_191 = arith.index_cast %add3A_180 : i32 to index
      %swap3A_192 = arith.constant 32 : index
      %swap3A_193 = tpu.vector_load %arg11[%swap3A_191, %swap3A_192] {strides = array<i32>} : memref<32x128xf32, #tpu.memory_space<vmem>>, vector<1x16xf32>,
      %swap3A_194 = vector.shape_cast %swap3A_193 : vector<1x16xf32> to vector<16xf32>
      %swap3A_195 = vector.shape_cast %broadcast_in_dim3A_32 : vector<16xf32> to vector<1x16xf32>
      tpu.vector_store %arg11[%swap3A_191, %swap3A_192], %swap3A_195 {strides = array<i32>} : memref<32x128xf32, #tpu.memory_space<vmem>>, vector<1x16xf32>,
      %swap3A_196 = arith.index_cast %add3A_180 : i32 to index
      %swap3A_197 = arith.constant 48 : index
      %swap3A_198 = tpu.vector_load %arg11[%swap3A_196, %swap3A_197] {strides = array<i32>} : memref<32x128xf32, #tpu.memory_space<vmem>>, vector<1x16xf32>,
      %swap3A_199 = vector.shape_cast %swap3A_198 : vector<1x16xf32> to vector<16xf32>
      %swap3A_200 = vector.shape_cast %broadcast_in_dim3A_32 : vector<16xf32> to vector<1x16xf32>
      tpu.vector_store %arg11[%swap3A_196, %swap3A_197], %swap3A_200 {strides = array<i32>} : memref<32x128xf32, #tpu.memory_space<vmem>>, vector<1x16xf32>,
      %swap3A_201 = arith.index_cast %add3A_180 : i32 to index
      %swap3A_202 = arith.constant 64 : index
      %swap3A_203 = tpu.vector_load %arg11[%swap3A_201, %swap3A_202] {strides = array<i32>} : memref<32x128xf32, #tpu.memory_space<vmem>>, vector<1x16xf32>,
      %swap3A_204 = vector.shape_cast %swap3A_203 : vector<1x16xf32> to vector<16xf32>
      %swap3A_205 = vector.shape_cast %broadcast_in_dim3A_32 : vector<16xf32> to vector<1x16xf32>
      tpu.vector_store %arg11[%swap3A_201, %swap3A_202], %swap3A_205 {strides = array<i32>} : memref<32x128xf32, #tpu.memory_space<vmem>>, vector<1x16xf32>,
      %swap3A_206 = arith.index_cast %add3A_180 : i32 to index
      %swap3A_207 = arith.constant 80 : index
      %swap3A_208 = tpu.vector_load %arg11[%swap3A_206, %swap3A_207] {strides = array<i32>} : memref<32x128xf32, #tpu.memory_space<vmem>>, vector<1x16xf32>,
      %swap3A_209 = vector.shape_cast %swap3A_208 : vector<1x16xf32> to vector<16xf32>
      %swap3A_210 = vector.shape_cast %broadcast_in_dim3A_32 : vector<16xf32> to vector<1x16xf32>
      tpu.vector_store %arg11[%swap3A_206, %swap3A_207], %swap3A_210 {strides = array<i32>} : memref<32x128xf32, #tpu.memory_space<vmem>>, vector<1x16xf32>,
      %swap3A_211 = arith.index_cast %add3A_180 : i32 to index
      %swap3A_212 = arith.constant 96 : index
      %swap3A_213 = tpu.vector_load %arg11[%swap3A_211, %swap3A_212] {strides = array<i32>} : memref<32x128xf32, #tpu.memory_space<vmem>>, vector<1x16xf32>,
      %swap3A_214 = vector.shape_cast %swap3A_213 : vector<1x16xf32> to vector<16xf32>
      %swap3A_215 = vector.shape_cast %broadcast_in_dim3A_32 : vector<16xf32> to vector<1x16xf32>
      tpu.vector_store %arg11[%swap3A_211, %swap3A_212], %swap3A_215 {strides = array<i32>} : memref<32x128xf32, #tpu.memory_space<vmem>>, vector<1x16xf32>,
      %swap3A_216 = arith.index_cast %add3A_180 : i32 to index
      %swap3A_217 = arith.constant 112 : index
      %swap3A_218 = tpu.vector_load %arg11[%swap3A_216, %swap3A_217] {strides = array<i32>} : memref<32x128xf32, #tpu.memory_space<vmem>>, vector<1x16xf32>,
      %swap3A_219 = vector.shape_cast %swap3A_218 : vector<1x16xf32> to vector<16xf32>
      %swap3A_220 = vector.shape_cast %broadcast_in_dim3A_32 : vector<16xf32> to vector<1x16xf32>
      tpu.vector_store %arg11[%swap3A_216, %swap3A_217], %swap3A_220 {strides = array<i32>} : memref<32x128xf32, #tpu.memory_space<vmem>>, vector<1x16xf32>,
      %scan3A_221 = arith.constant 3 : i32
      %scan3A_222 = arith.addi %scan3A_85, %scan3A_221 : i32
      %mul3A_223 = arith.constant 1 : i32
      %mul3A_224 = arith.muli %scan3A_222, %mul3A_223 : i32
      %add3A_225 = arith.constant 0 : i32
      %add3A_226 = arith.addi %add3A_225, %mul3A_224 : i32
      %swap3A_227 = arith.index_cast %add3A_226 : i32 to index
      %swap3A_228 = arith.constant 0 : index
      %swap3A_229 = tpu.vector_load %arg11[%swap3A_227, %swap3A_228] {strides = array<i32>} : memref<32x128xf32, #tpu.memory_space<vmem>>, vector<1x16xf32>,
      %swap3A_230 = vector.shape_cast %swap3A_229 : vector<1x16xf32> to vector<16xf32>
      %swap3A_231 = vector.shape_cast %broadcast_in_dim3A_32 : vector<16xf32> to vector<1x16xf32>
      tpu.vector_store %arg11[%swap3A_227, %swap3A_228], %swap3A_231 {strides = array<i32>} : memref<32x128xf32, #tpu.memory_space<vmem>>, vector<1x16xf32>,
      %swap3A_232 = arith.index_cast %add3A_226 : i32 to index
      %swap3A_233 = arith.constant 16 : index
      %swap3A_234 = tpu.vector_load %arg11[%swap3A_232, %swap3A_233] {strides = array<i32>} : memref<32x128xf32, #tpu.memory_space<vmem>>, vector<1x16xf32>,
      %swap3A_235 = vector.shape_cast %swap3A_234 : vector<1x16xf32> to vector<16xf32>
      %swap3A_236 = vector.shape_cast %broadcast_in_dim3A_32 : vector<16xf32> to vector<1x16xf32>
      tpu.vector_store %arg11[%swap3A_232, %swap3A_233], %swap3A_236 {strides = array<i32>} : memref<32x128xf32, #tpu.memory_space<vmem>>, vector<1x16xf32>,
      %swap3A_237 = arith.index_cast %add3A_226 : i32 to index
      %swap3A_238 = arith.constant 32 : index
      %swap3A_239 = tpu.vector_load %arg11[%swap3A_237, %swap3A_238] {strides = array<i32>} : memref<32x128xf32, #tpu.memory_space<vmem>>, vector<1x16xf32>,
      %swap3A_240 = vector.shape_cast %swap3A_239 : vector<1x16xf32> to vector<16xf32>
      %swap3A_241 = vector.shape_cast %broadcast_in_dim3A_32 : vector<16xf32> to vector<1x16xf32>
      tpu.vector_store %arg11[%swap3A_237, %swap3A_238], %swap3A_241 {strides = array<i32>} : memref<32x128xf32, #tpu.memory_space<vmem>>, vector<1x16xf32>,
      %swap3A_242 = arith.index_cast %add3A_226 : i32 to index
      %swap3A_243 = arith.constant 48 : index
      %swap3A_244 = tpu.vector_load %arg11[%swap3A_242, %swap3A_243] {strides = array<i32>} : memref<32x128xf32, #tpu.memory_space<vmem>>, vector<1x16xf32>,
      %swap3A_245 = vector.shape_cast %swap3A_244 : vector<1x16xf32> to vector<16xf32>
      %swap3A_246 = vector.shape_cast %broadcast_in_dim3A_32 : vector<16xf32> to vector<1x16xf32>
      tpu.vector_store %arg11[%swap3A_242, %swap3A_243], %swap3A_246 {strides = array<i32>} : memref<32x128xf32, #tpu.memory_space<vmem>>, vector<1x16xf32>,
      %swap3A_247 = arith.index_cast %add3A_226 : i32 to index
      %swap3A_248 = arith.constant 64 : index
      %swap3A_249 = tpu.vector_load %arg11[%swap3A_247, %swap3A_248] {strides = array<i32>} : memref<32x128xf32, #tpu.memory_space<vmem>>, vector<1x16xf32>,
      %swap3A_250 = vector.shape_cast %swap3A_249 : vector<1x16xf32> to vector<16xf32>
      %swap3A_251 = vector.shape_cast %broadcast_in_dim3A_32 : vector<16xf32> to vector<1x16xf32>
      tpu.vector_store %arg11[%swap3A_247, %swap3A_248], %swap3A_251 {strides = array<i32>} : memref<32x128xf32, #tpu.memory_space<vmem>>, vector<1x16xf32>,
      %swap3A_252 = arith.index_cast %add3A_226 : i32 to index
      %swap3A_253 = arith.constant 80 : index
      %swap3A_254 = tpu.vector_load %arg11[%swap3A_252, %swap3A_253] {strides = array<i32>} : memref<32x128xf32, #tpu.memory_space<vmem>>, vector<1x16xf32>,
      %swap3A_255 = vector.shape_cast %swap3A_254 : vector<1x16xf32> to vector<16xf32>
      %swap3A_256 = vector.shape_cast %broadcast_in_dim3A_32 : vector<16xf32> to vector<1x16xf32>
      tpu.vector_store %arg11[%swap3A_252, %swap3A_253], %swap3A_256 {strides = array<i32>} : memref<32x128xf32, #tpu.memory_space<vmem>>, vector<1x16xf32>,
      %swap3A_257 = arith.index_cast %add3A_226 : i32 to index
      %swap3A_258 = arith.constant 96 : index
      %swap3A_259 = tpu.vector_load %arg11[%swap3A_257, %swap3A_258] {strides = array<i32>} : memref<32x128xf32, #tpu.memory_space<vmem>>, vector<1x16xf32>,
      %swap3A_260 = vector.shape_cast %swap3A_259 : vector<1x16xf32> to vector<16xf32>
      %swap3A_261 = vector.shape_cast %broadcast_in_dim3A_32 : vector<16xf32> to vector<1x16xf32>
      tpu.vector_store %arg11[%swap3A_257, %swap3A_258], %swap3A_261 {strides = array<i32>} : memref<32x128xf32, #tpu.memory_space<vmem>>, vector<1x16xf32>,
      %swap3A_262 = arith.index_cast %add3A_226 : i32 to index
      %swap3A_263 = arith.constant 112 : index
      %swap3A_264 = tpu.vector_load %arg11[%swap3A_262, %swap3A_263] {strides = array<i32>} : memref<32x128xf32, #tpu.memory_space<vmem>>, vector<1x16xf32>,
      %swap3A_265 = vector.shape_cast %swap3A_264 : vector<1x16xf32> to vector<16xf32>
      %swap3A_266 = vector.shape_cast %broadcast_in_dim3A_32 : vector<16xf32> to vector<1x16xf32>
      tpu.vector_store %arg11[%swap3A_262, %swap3A_263], %swap3A_266 {strides = array<i32>} : memref<32x128xf32, #tpu.memory_space<vmem>>, vector<1x16xf32>,
    }
    %scan3A_36 = arith.constant 32 : i32
    %mul3A_37 = arith.constant 640 : i32
    %mul3A_38 = arith.muli %arg1, %mul3A_37 : i32
    %add3A_39 = arith.constant 0 : i32
    %add3A_40 = arith.addi %mul3A_38, %add3A_39 : i32
    "tpu.region"() ({
      %run_scoped3A = tpu.sem_alloc : memref<!tpu.dma_semaphore, #tpu.memory_space<semaphore_mem>>
      %dma_start3A_85 = arith.constant 0 : i32
      %dma_start3A_86 = tpu.memref_slice %arg12[%add3A_40, %dma_start3A_85] : memref<10240x128xf32, #tpu.memory_space<vmem_shared>> -> memref<32x128xf32, #tpu.memory_space<vmem_shared>>
      %dma_start3A_87 = arith.constant 0 : i32
      %dma_start3A_88 = tpu.memref_slice %arg12[%add3A_40, %dma_start3A_87] : memref<10240x128xf32, #tpu.memory_space<vmem_shared>> -> memref<32x128xf32, #tpu.memory_space<vmem_shared>>
      tpu.enqueue_dma source(%arg11 : memref<32x128xf32, #tpu.memory_space<vmem>>) target(%dma_start3A_88 : memref<32x128xf32, #tpu.memory_space<vmem_shared>>) target_semaphore(%run_scoped3A : memref<!tpu.dma_semaphore, #tpu.memory_space<semaphore_mem>>)
      %dma_wait3A = arith.constant 0 : i32
      %dma_wait3A_89 = tpu.memref_slice %arg12[%add3A_40, %dma_wait3A] : memref<10240x128xf32, #tpu.memory_space<vmem_shared>> -> memref<32x128xf32, #tpu.memory_space<vmem_shared>>
      %dma_wait3A_90 = arith.constant 0 : i32
      %dma_wait3A_91 = tpu.memref_slice %arg12[%add3A_40, %dma_wait3A_90] : memref<10240x128xf32, #tpu.memory_space<vmem_shared>> -> memref<32x128xf32, #tpu.memory_space<vmem_shared>>
      tpu.wait_dma2 semaphore(%run_scoped3A : memref<!tpu.dma_semaphore, #tpu.memory_space<semaphore_mem>>) src(%arg11 : memref<32x128xf32, #tpu.memory_space<vmem>>) dst(%dma_wait3A_91 : memref<32x128xf32, #tpu.memory_space<vmem_shared>>)
      tpu.yield
    }) : () -> ()
    %add3A_41 = arith.constant 32 : i32
    %add3A_42 = arith.addi %mul3A_38, %add3A_41 : i32
    "tpu.region"() ({
      %run_scoped3A = tpu.sem_alloc : memref<!tpu.dma_semaphore, #tpu.memory_space<semaphore_mem>>
      %dma_start3A_85 = arith.constant 0 : i32
      %dma_start3A_86 = tpu.memref_slice %arg12[%add3A_42, %dma_start3A_85] : memref<10240x128xf32, #tpu.memory_space<vmem_shared>> -> memref<32x128xf32, #tpu.memory_space<vmem_shared>>
      %dma_start3A_87 = arith.constant 0 : i32
      %dma_start3A_88 = tpu.memref_slice %arg12[%add3A_42, %dma_start3A_87] : memref<10240x128xf32, #tpu.memory_space<vmem_shared>> -> memref<32x128xf32, #tpu.memory_space<vmem_shared>>
      tpu.enqueue_dma source(%arg11 : memref<32x128xf32, #tpu.memory_space<vmem>>) target(%dma_start3A_88 : memref<32x128xf32, #tpu.memory_space<vmem_shared>>) target_semaphore(%run_scoped3A : memref<!tpu.dma_semaphore, #tpu.memory_space<semaphore_mem>>)
      %dma_wait3A = arith.constant 0 : i32
      %dma_wait3A_89 = tpu.memref_slice %arg12[%add3A_42, %dma_wait3A] : memref<10240x128xf32, #tpu.memory_space<vmem_shared>> -> memref<32x128xf32, #tpu.memory_space<vmem_shared>>
      %dma_wait3A_90 = arith.constant 0 : i32
      %dma_wait3A_91 = tpu.memref_slice %arg12[%add3A_42, %dma_wait3A_90] : memref<10240x128xf32, #tpu.memory_space<vmem_shared>> -> memref<32x128xf32, #tpu.memory_space<vmem_shared>>
      tpu.wait_dma2 semaphore(%run_scoped3A : memref<!tpu.dma_semaphore, #tpu.memory_space<semaphore_mem>>) src(%arg11 : memref<32x128xf32, #tpu.memory_space<vmem>>) dst(%dma_wait3A_91 : memref<32x128xf32, #tpu.memory_space<vmem_shared>>)
      tpu.yield
    }) : () -> ()
    %add3A_43 = arith.constant 64 : i32
    %add3A_44 = arith.addi %mul3A_38, %add3A_43 : i32
    "tpu.region"() ({
      %run_scoped3A = tpu.sem_alloc : memref<!tpu.dma_semaphore, #tpu.memory_space<semaphore_mem>>
      %dma_start3A_85 = arith.constant 0 : i32
      %dma_start3A_86 = tpu.memref_slice %arg12[%add3A_44, %dma_start3A_85] : memref<10240x128xf32, #tpu.memory_space<vmem_shared>> -> memref<32x128xf32, #tpu.memory_space<vmem_shared>>
      %dma_start3A_87 = arith.constant 0 : i32
      %dma_start3A_88 = tpu.memref_slice %arg12[%add3A_44, %dma_start3A_87] : memref<10240x128xf32, #tpu.memory_space<vmem_shared>> -> memref<32x128xf32, #tpu.memory_space<vmem_shared>>
      tpu.enqueue_dma source(%arg11 : memref<32x128xf32, #tpu.memory_space<vmem>>) target(%dma_start3A_88 : memref<32x128xf32, #tpu.memory_space<vmem_shared>>) target_semaphore(%run_scoped3A : memref<!tpu.dma_semaphore, #tpu.memory_space<semaphore_mem>>)
      %dma_wait3A = arith.constant 0 : i32
      %dma_wait3A_89 = tpu.memref_slice %arg12[%add3A_44, %dma_wait3A] : memref<10240x128xf32, #tpu.memory_space<vmem_shared>> -> memref<32x128xf32, #tpu.memory_space<vmem_shared>>
      %dma_wait3A_90 = arith.constant 0 : i32
      %dma_wait3A_91 = tpu.memref_slice %arg12[%add3A_44, %dma_wait3A_90] : memref<10240x128xf32, #tpu.memory_space<vmem_shared>> -> memref<32x128xf32, #tpu.memory_space<vmem_shared>>
      tpu.wait_dma2 semaphore(%run_scoped3A : memref<!tpu.dma_semaphore, #tpu.memory_space<semaphore_mem>>) src(%arg11 : memref<32x128xf32, #tpu.memory_space<vmem>>) dst(%dma_wait3A_91 : memref<32x128xf32, #tpu.memory_space<vmem_shared>>)
      tpu.yield
    }) : () -> ()
    %add3A_45 = arith.constant 96 : i32
    %add3A_46 = arith.addi %mul3A_38, %add3A_45 : i32
    "tpu.region"() ({
      %run_scoped3A = tpu.sem_alloc : memref<!tpu.dma_semaphore, #tpu.memory_space<semaphore_mem>>
      %dma_start3A_85 = arith.constant 0 : i32
      %dma_start3A_86 = tpu.memref_slice %arg12[%add3A_46, %dma_start3A_85] : memref<10240x128xf32, #tpu.memory_space<vmem_shared>> -> memref<32x128xf32, #tpu.memory_space<vmem_shared>>
      %dma_start3A_87 = arith.constant 0 : i32
      %dma_start3A_88 = tpu.memref_slice %arg12[%add3A_46, %dma_start3A_87] : memref<10240x128xf32, #tpu.memory_space<vmem_shared>> -> memref<32x128xf32, #tpu.memory_space<vmem_shared>>
      tpu.enqueue_dma source(%arg11 : memref<32x128xf32, #tpu.memory_space<vmem>>) target(%dma_start3A_88 : memref<32x128xf32, #tpu.memory_space<vmem_shared>>) target_semaphore(%run_scoped3A : memref<!tpu.dma_semaphore, #tpu.memory_space<semaphore_mem>>)
      %dma_wait3A = arith.constant 0 : i32
      %dma_wait3A_89 = tpu.memref_slice %arg12[%add3A_46, %dma_wait3A] : memref<10240x128xf32, #tpu.memory_space<vmem_shared>> -> memref<32x128xf32, #tpu.memory_space<vmem_shared>>
      %dma_wait3A_90 = arith.constant 0 : i32
      %dma_wait3A_91 = tpu.memref_slice %arg12[%add3A_46, %dma_wait3A_90] : memref<10240x128xf32, #tpu.memory_space<vmem_shared>> -> memref<32x128xf32, #tpu.memory_space<vmem_shared>>
      tpu.wait_dma2 semaphore(%run_scoped3A : memref<!tpu.dma_semaphore, #tpu.memory_space<semaphore_mem>>) src(%arg11 : memref<32x128xf32, #tpu.memory_space<vmem>>) dst(%dma_wait3A_91 : memref<32x128xf32, #tpu.memory_space<vmem_shared>>)
      tpu.yield
    }) : () -> ()
    %add3A_47 = arith.constant 128 : i32
    %add3A_48 = arith.addi %mul3A_38, %add3A_47 : i32
    "tpu.region"() ({
      %run_scoped3A = tpu.sem_alloc : memref<!tpu.dma_semaphore, #tpu.memory_space<semaphore_mem>>
      %dma_start3A_85 = arith.constant 0 : i32
      %dma_start3A_86 = tpu.memref_slice %arg12[%add3A_48, %dma_start3A_85] : memref<10240x128xf32, #tpu.memory_space<vmem_shared>> -> memref<32x128xf32, #tpu.memory_space<vmem_shared>>
      %dma_start3A_87 = arith.constant 0 : i32
      %dma_start3A_88 = tpu.memref_slice %arg12[%add3A_48, %dma_start3A_87] : memref<10240x128xf32, #tpu.memory_space<vmem_shared>> -> memref<32x128xf32, #tpu.memory_space<vmem_shared>>
      tpu.enqueue_dma source(%arg11 : memref<32x128xf32, #tpu.memory_space<vmem>>) target(%dma_start3A_88 : memref<32x128xf32, #tpu.memory_space<vmem_shared>>) target_semaphore(%run_scoped3A : memref<!tpu.dma_semaphore, #tpu.memory_space<semaphore_mem>>)
      %dma_wait3A = arith.constant 0 : i32
      %dma_wait3A_89 = tpu.memref_slice %arg12[%add3A_48, %dma_wait3A] : memref<10240x128xf32, #tpu.memory_space<vmem_shared>> -> memref<32x128xf32, #tpu.memory_space<vmem_shared>>
      %dma_wait3A_90 = arith.constant 0 : i32
      %dma_wait3A_91 = tpu.memref_slice %arg12[%add3A_48, %dma_wait3A_90] : memref<10240x128xf32, #tpu.memory_space<vmem_shared>> -> memref<32x128xf32, #tpu.memory_space<vmem_shared>>
      tpu.wait_dma2 semaphore(%run_scoped3A : memref<!tpu.dma_semaphore, #tpu.memory_space<semaphore_mem>>) src(%arg11 : memref<32x128xf32, #tpu.memory_space<vmem>>) dst(%dma_wait3A_91 : memref<32x128xf32, #tpu.memory_space<vmem_shared>>)
      tpu.yield
    }) : () -> ()
    %add3A_49 = arith.constant 160 : i32
    %add3A_50 = arith.addi %mul3A_38, %add3A_49 : i32
    "tpu.region"() ({
      %run_scoped3A = tpu.sem_alloc : memref<!tpu.dma_semaphore, #tpu.memory_space<semaphore_mem>>
      %dma_start3A_85 = arith.constant 0 : i32
      %dma_start3A_86 = tpu.memref_slice %arg12[%add3A_50, %dma_start3A_85] : memref<10240x128xf32, #tpu.memory_space<vmem_shared>> -> memref<32x128xf32, #tpu.memory_space<vmem_shared>>
      %dma_start3A_87 = arith.constant 0 : i32
      %dma_start3A_88 = tpu.memref_slice %arg12[%add3A_50, %dma_start3A_87] : memref<10240x128xf32, #tpu.memory_space<vmem_shared>> -> memref<32x128xf32, #tpu.memory_space<vmem_shared>>
      tpu.enqueue_dma source(%arg11 : memref<32x128xf32, #tpu.memory_space<vmem>>) target(%dma_start3A_88 : memref<32x128xf32, #tpu.memory_space<vmem_shared>>) target_semaphore(%run_scoped3A : memref<!tpu.dma_semaphore, #tpu.memory_space<semaphore_mem>>)
      %dma_wait3A = arith.constant 0 : i32
      %dma_wait3A_89 = tpu.memref_slice %arg12[%add3A_50, %dma_wait3A] : memref<10240x128xf32, #tpu.memory_space<vmem_shared>> -> memref<32x128xf32, #tpu.memory_space<vmem_shared>>
      %dma_wait3A_90 = arith.constant 0 : i32
      %dma_wait3A_91 = tpu.memref_slice %arg12[%add3A_50, %dma_wait3A_90] : memref<10240x128xf32, #tpu.memory_space<vmem_shared>> -> memref<32x128xf32, #tpu.memory_space<vmem_shared>>
      tpu.wait_dma2 semaphore(%run_scoped3A : memref<!tpu.dma_semaphore, #tpu.memory_space<semaphore_mem>>) src(%arg11 : memref<32x128xf32, #tpu.memory_space<vmem>>) dst(%dma_wait3A_91 : memref<32x128xf32, #tpu.memory_space<vmem_shared>>)
      tpu.yield
    }) : () -> ()
    %add3A_51 = arith.constant 192 : i32
    %add3A_52 = arith.addi %mul3A_38, %add3A_51 : i32
    "tpu.region"() ({
      %run_scoped3A = tpu.sem_alloc : memref<!tpu.dma_semaphore, #tpu.memory_space<semaphore_mem>>
      %dma_start3A_85 = arith.constant 0 : i32
      %dma_start3A_86 = tpu.memref_slice %arg12[%add3A_52, %dma_start3A_85] : memref<10240x128xf32, #tpu.memory_space<vmem_shared>> -> memref<32x128xf32, #tpu.memory_space<vmem_shared>>
      %dma_start3A_87 = arith.constant 0 : i32
      %dma_start3A_88 = tpu.memref_slice %arg12[%add3A_52, %dma_start3A_87] : memref<10240x128xf32, #tpu.memory_space<vmem_shared>> -> memref<32x128xf32, #tpu.memory_space<vmem_shared>>
      tpu.enqueue_dma source(%arg11 : memref<32x128xf32, #tpu.memory_space<vmem>>) target(%dma_start3A_88 : memref<32x128xf32, #tpu.memory_space<vmem_shared>>) target_semaphore(%run_scoped3A : memref<!tpu.dma_semaphore, #tpu.memory_space<semaphore_mem>>)
      %dma_wait3A = arith.constant 0 : i32
      %dma_wait3A_89 = tpu.memref_slice %arg12[%add3A_52, %dma_wait3A] : memref<10240x128xf32, #tpu.memory_space<vmem_shared>> -> memref<32x128xf32, #tpu.memory_space<vmem_shared>>
      %dma_wait3A_90 = arith.constant 0 : i32
      %dma_wait3A_91 = tpu.memref_slice %arg12[%add3A_52, %dma_wait3A_90] : memref<10240x128xf32, #tpu.memory_space<vmem_shared>> -> memref<32x128xf32, #tpu.memory_space<vmem_shared>>
      tpu.wait_dma2 semaphore(%run_scoped3A : memref<!tpu.dma_semaphore, #tpu.memory_space<semaphore_mem>>) src(%arg11 : memref<32x128xf32, #tpu.memory_space<vmem>>) dst(%dma_wait3A_91 : memref<32x128xf32, #tpu.memory_space<vmem_shared>>)
      tpu.yield
    }) : () -> ()
    %add3A_53 = arith.constant 224 : i32
    %add3A_54 = arith.addi %mul3A_38, %add3A_53 : i32
    "tpu.region"() ({
      %run_scoped3A = tpu.sem_alloc : memref<!tpu.dma_semaphore, #tpu.memory_space<semaphore_mem>>
      %dma_start3A_85 = arith.constant 0 : i32
      %dma_start3A_86 = tpu.memref_slice %arg12[%add3A_54, %dma_start3A_85] : memref<10240x128xf32, #tpu.memory_space<vmem_shared>> -> memref<32x128xf32, #tpu.memory_space<vmem_shared>>
      %dma_start3A_87 = arith.constant 0 : i32
      %dma_start3A_88 = tpu.memref_slice %arg12[%add3A_54, %dma_start3A_87] : memref<10240x128xf32, #tpu.memory_space<vmem_shared>> -> memref<32x128xf32, #tpu.memory_space<vmem_shared>>
      tpu.enqueue_dma source(%arg11 : memref<32x128xf32, #tpu.memory_space<vmem>>) target(%dma_start3A_88 : memref<32x128xf32, #tpu.memory_space<vmem_shared>>) target_semaphore(%run_scoped3A : memref<!tpu.dma_semaphore, #tpu.memory_space<semaphore_mem>>)
      %dma_wait3A = arith.constant 0 : i32
      %dma_wait3A_89 = tpu.memref_slice %arg12[%add3A_54, %dma_wait3A] : memref<10240x128xf32, #tpu.memory_space<vmem_shared>> -> memref<32x128xf32, #tpu.memory_space<vmem_shared>>
      %dma_wait3A_90 = arith.constant 0 : i32
      %dma_wait3A_91 = tpu.memref_slice %arg12[%add3A_54, %dma_wait3A_90] : memref<10240x128xf32, #tpu.memory_space<vmem_shared>> -> memref<32x128xf32, #tpu.memory_space<vmem_shared>>
      tpu.wait_dma2 semaphore(%run_scoped3A : memref<!tpu.dma_semaphore, #tpu.memory_space<semaphore_mem>>) src(%arg11 : memref<32x128xf32, #tpu.memory_space<vmem>>) dst(%dma_wait3A_91 : memref<32x128xf32, #tpu.memory_space<vmem_shared>>)
      tpu.yield
    }) : () -> ()
    %add3A_55 = arith.constant 256 : i32
    %add3A_56 = arith.addi %mul3A_38, %add3A_55 : i32
    "tpu.region"() ({
      %run_scoped3A = tpu.sem_alloc : memref<!tpu.dma_semaphore, #tpu.memory_space<semaphore_mem>>
      %dma_start3A_85 = arith.constant 0 : i32
      %dma_start3A_86 = tpu.memref_slice %arg12[%add3A_56, %dma_start3A_85] : memref<10240x128xf32, #tpu.memory_space<vmem_shared>> -> memref<32x128xf32, #tpu.memory_space<vmem_shared>>
      %dma_start3A_87 = arith.constant 0 : i32
      %dma_start3A_88 = tpu.memref_slice %arg12[%add3A_56, %dma_start3A_87] : memref<10240x128xf32, #tpu.memory_space<vmem_shared>> -> memref<32x128xf32, #tpu.memory_space<vmem_shared>>
      tpu.enqueue_dma source(%arg11 : memref<32x128xf32, #tpu.memory_space<vmem>>) target(%dma_start3A_88 : memref<32x128xf32, #tpu.memory_space<vmem_shared>>) target_semaphore(%run_scoped3A : memref<!tpu.dma_semaphore, #tpu.memory_space<semaphore_mem>>)
      %dma_wait3A = arith.constant 0 : i32
      %dma_wait3A_89 = tpu.memref_slice %arg12[%add3A_56, %dma_wait3A] : memref<10240x128xf32, #tpu.memory_space<vmem_shared>> -> memref<32x128xf32, #tpu.memory_space<vmem_shared>>
      %dma_wait3A_90 = arith.constant 0 : i32
      %dma_wait3A_91 = tpu.memref_slice %arg12[%add3A_56, %dma_wait3A_90] : memref<10240x128xf32, #tpu.memory_space<vmem_shared>> -> memref<32x128xf32, #tpu.memory_space<vmem_shared>>
      tpu.wait_dma2 semaphore(%run_scoped3A : memref<!tpu.dma_semaphore, #tpu.memory_space<semaphore_mem>>) src(%arg11 : memref<32x128xf32, #tpu.memory_space<vmem>>) dst(%dma_wait3A_91 : memref<32x128xf32, #tpu.memory_space<vmem_shared>>)
      tpu.yield
    }) : () -> ()
    %add3A_57 = arith.constant 288 : i32
    %add3A_58 = arith.addi %mul3A_38, %add3A_57 : i32
    "tpu.region"() ({
      %run_scoped3A = tpu.sem_alloc : memref<!tpu.dma_semaphore, #tpu.memory_space<semaphore_mem>>
      %dma_start3A_85 = arith.constant 0 : i32
      %dma_start3A_86 = tpu.memref_slice %arg12[%add3A_58, %dma_start3A_85] : memref<10240x128xf32, #tpu.memory_space<vmem_shared>> -> memref<32x128xf32, #tpu.memory_space<vmem_shared>>
      %dma_start3A_87 = arith.constant 0 : i32
      %dma_start3A_88 = tpu.memref_slice %arg12[%add3A_58, %dma_start3A_87] : memref<10240x128xf32, #tpu.memory_space<vmem_shared>> -> memref<32x128xf32, #tpu.memory_space<vmem_shared>>
      tpu.enqueue_dma source(%arg11 : memref<32x128xf32, #tpu.memory_space<vmem>>) target(%dma_start3A_88 : memref<32x128xf32, #tpu.memory_space<vmem_shared>>) target_semaphore(%run_scoped3A : memref<!tpu.dma_semaphore, #tpu.memory_space<semaphore_mem>>)
      %dma_wait3A = arith.constant 0 : i32
      %dma_wait3A_89 = tpu.memref_slice %arg12[%add3A_58, %dma_wait3A] : memref<10240x128xf32, #tpu.memory_space<vmem_shared>> -> memref<32x128xf32, #tpu.memory_space<vmem_shared>>
      %dma_wait3A_90 = arith.constant 0 : i32
      %dma_wait3A_91 = tpu.memref_slice %arg12[%add3A_58, %dma_wait3A_90] : memref<10240x128xf32, #tpu.memory_space<vmem_shared>> -> memref<32x128xf32, #tpu.memory_space<vmem_shared>>
      tpu.wait_dma2 semaphore(%run_scoped3A : memref<!tpu.dma_semaphore, #tpu.memory_space<semaphore_mem>>) src(%arg11 : memref<32x128xf32, #tpu.memory_space<vmem>>) dst(%dma_wait3A_91 : memref<32x128xf32, #tpu.memory_space<vmem_shared>>)
      tpu.yield
    }) : () -> ()
    %add3A_59 = arith.constant 320 : i32
    %add3A_60 = arith.addi %mul3A_38, %add3A_59 : i32
    "tpu.region"() ({
      %run_scoped3A = tpu.sem_alloc : memref<!tpu.dma_semaphore, #tpu.memory_space<semaphore_mem>>
      %dma_start3A_85 = arith.constant 0 : i32
      %dma_start3A_86 = tpu.memref_slice %arg12[%add3A_60, %dma_start3A_85] : memref<10240x128xf32, #tpu.memory_space<vmem_shared>> -> memref<32x128xf32, #tpu.memory_space<vmem_shared>>
      %dma_start3A_87 = arith.constant 0 : i32
      %dma_start3A_88 = tpu.memref_slice %arg12[%add3A_60, %dma_start3A_87] : memref<10240x128xf32, #tpu.memory_space<vmem_shared>> -> memref<32x128xf32, #tpu.memory_space<vmem_shared>>
      tpu.enqueue_dma source(%arg11 : memref<32x128xf32, #tpu.memory_space<vmem>>) target(%dma_start3A_88 : memref<32x128xf32, #tpu.memory_space<vmem_shared>>) target_semaphore(%run_scoped3A : memref<!tpu.dma_semaphore, #tpu.memory_space<semaphore_mem>>)
      %dma_wait3A = arith.constant 0 : i32
      %dma_wait3A_89 = tpu.memref_slice %arg12[%add3A_60, %dma_wait3A] : memref<10240x128xf32, #tpu.memory_space<vmem_shared>> -> memref<32x128xf32, #tpu.memory_space<vmem_shared>>
      %dma_wait3A_90 = arith.constant 0 : i32
      %dma_wait3A_91 = tpu.memref_slice %arg12[%add3A_60, %dma_wait3A_90] : memref<10240x128xf32, #tpu.memory_space<vmem_shared>> -> memref<32x128xf32, #tpu.memory_space<vmem_shared>>
      tpu.wait_dma2 semaphore(%run_scoped3A : memref<!tpu.dma_semaphore, #tpu.memory_space<semaphore_mem>>) src(%arg11 : memref<32x128xf32, #tpu.memory_space<vmem>>) dst(%dma_wait3A_91 : memref<32x128xf32, #tpu.memory_space<vmem_shared>>)
      tpu.yield
    }) : () -> ()
    %add3A_61 = arith.constant 352 : i32
    %add3A_62 = arith.addi %mul3A_38, %add3A_61 : i32
    "tpu.region"() ({
      %run_scoped3A = tpu.sem_alloc : memref<!tpu.dma_semaphore, #tpu.memory_space<semaphore_mem>>
      %dma_start3A_85 = arith.constant 0 : i32
      %dma_start3A_86 = tpu.memref_slice %arg12[%add3A_62, %dma_start3A_85] : memref<10240x128xf32, #tpu.memory_space<vmem_shared>> -> memref<32x128xf32, #tpu.memory_space<vmem_shared>>
      %dma_start3A_87 = arith.constant 0 : i32
      %dma_start3A_88 = tpu.memref_slice %arg12[%add3A_62, %dma_start3A_87] : memref<10240x128xf32, #tpu.memory_space<vmem_shared>> -> memref<32x128xf32, #tpu.memory_space<vmem_shared>>
      tpu.enqueue_dma source(%arg11 : memref<32x128xf32, #tpu.memory_space<vmem>>) target(%dma_start3A_88 : memref<32x128xf32, #tpu.memory_space<vmem_shared>>) target_semaphore(%run_scoped3A : memref<!tpu.dma_semaphore, #tpu.memory_space<semaphore_mem>>)
      %dma_wait3A = arith.constant 0 : i32
      %dma_wait3A_89 = tpu.memref_slice %arg12[%add3A_62, %dma_wait3A] : memref<10240x128xf32, #tpu.memory_space<vmem_shared>> -> memref<32x128xf32, #tpu.memory_space<vmem_shared>>
      %dma_wait3A_90 = arith.constant 0 : i32
      %dma_wait3A_91 = tpu.memref_slice %arg12[%add3A_62, %dma_wait3A_90] : memref<10240x128xf32, #tpu.memory_space<vmem_shared>> -> memref<32x128xf32, #tpu.memory_space<vmem_shared>>
      tpu.wait_dma2 semaphore(%run_scoped3A : memref<!tpu.dma_semaphore, #tpu.memory_space<semaphore_mem>>) src(%arg11 : memref<32x128xf32, #tpu.memory_space<vmem>>) dst(%dma_wait3A_91 : memref<32x128xf32, #tpu.memory_space<vmem_shared>>)
      tpu.yield
    }) : () -> ()
    %add3A_63 = arith.constant 384 : i32
    %add3A_64 = arith.addi %mul3A_38, %add3A_63 : i32
    "tpu.region"() ({
      %run_scoped3A = tpu.sem_alloc : memref<!tpu.dma_semaphore, #tpu.memory_space<semaphore_mem>>
      %dma_start3A_85 = arith.constant 0 : i32
      %dma_start3A_86 = tpu.memref_slice %arg12[%add3A_64, %dma_start3A_85] : memref<10240x128xf32, #tpu.memory_space<vmem_shared>> -> memref<32x128xf32, #tpu.memory_space<vmem_shared>>
      %dma_start3A_87 = arith.constant 0 : i32
      %dma_start3A_88 = tpu.memref_slice %arg12[%add3A_64, %dma_start3A_87] : memref<10240x128xf32, #tpu.memory_space<vmem_shared>> -> memref<32x128xf32, #tpu.memory_space<vmem_shared>>
      tpu.enqueue_dma source(%arg11 : memref<32x128xf32, #tpu.memory_space<vmem>>) target(%dma_start3A_88 : memref<32x128xf32, #tpu.memory_space<vmem_shared>>) target_semaphore(%run_scoped3A : memref<!tpu.dma_semaphore, #tpu.memory_space<semaphore_mem>>)
      %dma_wait3A = arith.constant 0 : i32
      %dma_wait3A_89 = tpu.memref_slice %arg12[%add3A_64, %dma_wait3A] : memref<10240x128xf32, #tpu.memory_space<vmem_shared>> -> memref<32x128xf32, #tpu.memory_space<vmem_shared>>
      %dma_wait3A_90 = arith.constant 0 : i32
      %dma_wait3A_91 = tpu.memref_slice %arg12[%add3A_64, %dma_wait3A_90] : memref<10240x128xf32, #tpu.memory_space<vmem_shared>> -> memref<32x128xf32, #tpu.memory_space<vmem_shared>>
      tpu.wait_dma2 semaphore(%run_scoped3A : memref<!tpu.dma_semaphore, #tpu.memory_space<semaphore_mem>>) src(%arg11 : memref<32x128xf32, #tpu.memory_space<vmem>>) dst(%dma_wait3A_91 : memref<32x128xf32, #tpu.memory_space<vmem_shared>>)
      tpu.yield
    }) : () -> ()
    %add3A_65 = arith.constant 416 : i32
    %add3A_66 = arith.addi %mul3A_38, %add3A_65 : i32
    "tpu.region"() ({
      %run_scoped3A = tpu.sem_alloc : memref<!tpu.dma_semaphore, #tpu.memory_space<semaphore_mem>>
      %dma_start3A_85 = arith.constant 0 : i32
      %dma_start3A_86 = tpu.memref_slice %arg12[%add3A_66, %dma_start3A_85] : memref<10240x128xf32, #tpu.memory_space<vmem_shared>> -> memref<32x128xf32, #tpu.memory_space<vmem_shared>>
      %dma_start3A_87 = arith.constant 0 : i32
      %dma_start3A_88 = tpu.memref_slice %arg12[%add3A_66, %dma_start3A_87] : memref<10240x128xf32, #tpu.memory_space<vmem_shared>> -> memref<32x128xf32, #tpu.memory_space<vmem_shared>>
      tpu.enqueue_dma source(%arg11 : memref<32x128xf32, #tpu.memory_space<vmem>>) target(%dma_start3A_88 : memref<32x128xf32, #tpu.memory_space<vmem_shared>>) target_semaphore(%run_scoped3A : memref<!tpu.dma_semaphore, #tpu.memory_space<semaphore_mem>>)
      %dma_wait3A = arith.constant 0 : i32
      %dma_wait3A_89 = tpu.memref_slice %arg12[%add3A_66, %dma_wait3A] : memref<10240x128xf32, #tpu.memory_space<vmem_shared>> -> memref<32x128xf32, #tpu.memory_space<vmem_shared>>
      %dma_wait3A_90 = arith.constant 0 : i32
      %dma_wait3A_91 = tpu.memref_slice %arg12[%add3A_66, %dma_wait3A_90] : memref<10240x128xf32, #tpu.memory_space<vmem_shared>> -> memref<32x128xf32, #tpu.memory_space<vmem_shared>>
      tpu.wait_dma2 semaphore(%run_scoped3A : memref<!tpu.dma_semaphore, #tpu.memory_space<semaphore_mem>>) src(%arg11 : memref<32x128xf32, #tpu.memory_space<vmem>>) dst(%dma_wait3A_91 : memref<32x128xf32, #tpu.memory_space<vmem_shared>>)
      tpu.yield
    }) : () -> ()
    %add3A_67 = arith.constant 448 : i32
    %add3A_68 = arith.addi %mul3A_38, %add3A_67 : i32
    "tpu.region"() ({
      %run_scoped3A = tpu.sem_alloc : memref<!tpu.dma_semaphore, #tpu.memory_space<semaphore_mem>>
      %dma_start3A_85 = arith.constant 0 : i32
      %dma_start3A_86 = tpu.memref_slice %arg12[%add3A_68, %dma_start3A_85] : memref<10240x128xf32, #tpu.memory_space<vmem_shared>> -> memref<32x128xf32, #tpu.memory_space<vmem_shared>>
      %dma_start3A_87 = arith.constant 0 : i32
      %dma_start3A_88 = tpu.memref_slice %arg12[%add3A_68, %dma_start3A_87] : memref<10240x128xf32, #tpu.memory_space<vmem_shared>> -> memref<32x128xf32, #tpu.memory_space<vmem_shared>>
      tpu.enqueue_dma source(%arg11 : memref<32x128xf32, #tpu.memory_space<vmem>>) target(%dma_start3A_88 : memref<32x128xf32, #tpu.memory_space<vmem_shared>>) target_semaphore(%run_scoped3A : memref<!tpu.dma_semaphore, #tpu.memory_space<semaphore_mem>>)
      %dma_wait3A = arith.constant 0 : i32
      %dma_wait3A_89 = tpu.memref_slice %arg12[%add3A_68, %dma_wait3A] : memref<10240x128xf32, #tpu.memory_space<vmem_shared>> -> memref<32x128xf32, #tpu.memory_space<vmem_shared>>
      %dma_wait3A_90 = arith.constant 0 : i32
      %dma_wait3A_91 = tpu.memref_slice %arg12[%add3A_68, %dma_wait3A_90] : memref<10240x128xf32, #tpu.memory_space<vmem_shared>> -> memref<32x128xf32, #tpu.memory_space<vmem_shared>>
      tpu.wait_dma2 semaphore(%run_scoped3A : memref<!tpu.dma_semaphore, #tpu.memory_space<semaphore_mem>>) src(%arg11 : memref<32x128xf32, #tpu.memory_space<vmem>>) dst(%dma_wait3A_91 : memref<32x128xf32, #tpu.memory_space<vmem_shared>>)
      tpu.yield
    }) : () -> ()
    %add3A_69 = arith.constant 480 : i32
    %add3A_70 = arith.addi %mul3A_38, %add3A_69 : i32
    "tpu.region"() ({
      %run_scoped3A = tpu.sem_alloc : memref<!tpu.dma_semaphore, #tpu.memory_space<semaphore_mem>>
      %dma_start3A_85 = arith.constant 0 : i32
      %dma_start3A_86 = tpu.memref_slice %arg12[%add3A_70, %dma_start3A_85] : memref<10240x128xf32, #tpu.memory_space<vmem_shared>> -> memref<32x128xf32, #tpu.memory_space<vmem_shared>>
      %dma_start3A_87 = arith.constant 0 : i32
      %dma_start3A_88 = tpu.memref_slice %arg12[%add3A_70, %dma_start3A_87] : memref<10240x128xf32, #tpu.memory_space<vmem_shared>> -> memref<32x128xf32, #tpu.memory_space<vmem_shared>>
      tpu.enqueue_dma source(%arg11 : memref<32x128xf32, #tpu.memory_space<vmem>>) target(%dma_start3A_88 : memref<32x128xf32, #tpu.memory_space<vmem_shared>>) target_semaphore(%run_scoped3A : memref<!tpu.dma_semaphore, #tpu.memory_space<semaphore_mem>>)
      %dma_wait3A = arith.constant 0 : i32
      %dma_wait3A_89 = tpu.memref_slice %arg12[%add3A_70, %dma_wait3A] : memref<10240x128xf32, #tpu.memory_space<vmem_shared>> -> memref<32x128xf32, #tpu.memory_space<vmem_shared>>
      %dma_wait3A_90 = arith.constant 0 : i32
      %dma_wait3A_91 = tpu.memref_slice %arg12[%add3A_70, %dma_wait3A_90] : memref<10240x128xf32, #tpu.memory_space<vmem_shared>> -> memref<32x128xf32, #tpu.memory_space<vmem_shared>>
      tpu.wait_dma2 semaphore(%run_scoped3A : memref<!tpu.dma_semaphore, #tpu.memory_space<semaphore_mem>>) src(%arg11 : memref<32x128xf32, #tpu.memory_space<vmem>>) dst(%dma_wait3A_91 : memref<32x128xf32, #tpu.memory_space<vmem_shared>>)
      tpu.yield
    }) : () -> ()
    %add3A_71 = arith.constant 512 : i32
    %add3A_72 = arith.addi %mul3A_38, %add3A_71 : i32
    "tpu.region"() ({
      %run_scoped3A = tpu.sem_alloc : memref<!tpu.dma_semaphore, #tpu.memory_space<semaphore_mem>>
      %dma_start3A_85 = arith.constant 0 : i32
      %dma_start3A_86 = tpu.memref_slice %arg12[%add3A_72, %dma_start3A_85] : memref<10240x128xf32, #tpu.memory_space<vmem_shared>> -> memref<32x128xf32, #tpu.memory_space<vmem_shared>>
      %dma_start3A_87 = arith.constant 0 : i32
      %dma_start3A_88 = tpu.memref_slice %arg12[%add3A_72, %dma_start3A_87] : memref<10240x128xf32, #tpu.memory_space<vmem_shared>> -> memref<32x128xf32, #tpu.memory_space<vmem_shared>>
      tpu.enqueue_dma source(%arg11 : memref<32x128xf32, #tpu.memory_space<vmem>>) target(%dma_start3A_88 : memref<32x128xf32, #tpu.memory_space<vmem_shared>>) target_semaphore(%run_scoped3A : memref<!tpu.dma_semaphore, #tpu.memory_space<semaphore_mem>>)
      %dma_wait3A = arith.constant 0 : i32
      %dma_wait3A_89 = tpu.memref_slice %arg12[%add3A_72, %dma_wait3A] : memref<10240x128xf32, #tpu.memory_space<vmem_shared>> -> memref<32x128xf32, #tpu.memory_space<vmem_shared>>
      %dma_wait3A_90 = arith.constant 0 : i32
      %dma_wait3A_91 = tpu.memref_slice %arg12[%add3A_72, %dma_wait3A_90] : memref<10240x128xf32, #tpu.memory_space<vmem_shared>> -> memref<32x128xf32, #tpu.memory_space<vmem_shared>>
      tpu.wait_dma2 semaphore(%run_scoped3A : memref<!tpu.dma_semaphore, #tpu.memory_space<semaphore_mem>>) src(%arg11 : memref<32x128xf32, #tpu.memory_space<vmem>>) dst(%dma_wait3A_91 : memref<32x128xf32, #tpu.memory_space<vmem_shared>>)
      tpu.yield
    }) : () -> ()
    %add3A_73 = arith.constant 544 : i32
    %add3A_74 = arith.addi %mul3A_38, %add3A_73 : i32
    "tpu.region"() ({
      %run_scoped3A = tpu.sem_alloc : memref<!tpu.dma_semaphore, #tpu.memory_space<semaphore_mem>>
      %dma_start3A_85 = arith.constant 0 : i32
      %dma_start3A_86 = tpu.memref_slice %arg12[%add3A_74, %dma_start3A_85] : memref<10240x128xf32, #tpu.memory_space<vmem_shared>> -> memref<32x128xf32, #tpu.memory_space<vmem_shared>>
      %dma_start3A_87 = arith.constant 0 : i32
      %dma_start3A_88 = tpu.memref_slice %arg12[%add3A_74, %dma_start3A_87] : memref<10240x128xf32, #tpu.memory_space<vmem_shared>> -> memref<32x128xf32, #tpu.memory_space<vmem_shared>>
      tpu.enqueue_dma source(%arg11 : memref<32x128xf32, #tpu.memory_space<vmem>>) target(%dma_start3A_88 : memref<32x128xf32, #tpu.memory_space<vmem_shared>>) target_semaphore(%run_scoped3A : memref<!tpu.dma_semaphore, #tpu.memory_space<semaphore_mem>>)
      %dma_wait3A = arith.constant 0 : i32
      %dma_wait3A_89 = tpu.memref_slice %arg12[%add3A_74, %dma_wait3A] : memref<10240x128xf32, #tpu.memory_space<vmem_shared>> -> memref<32x128xf32, #tpu.memory_space<vmem_shared>>
      %dma_wait3A_90 = arith.constant 0 : i32
      %dma_wait3A_91 = tpu.memref_slice %arg12[%add3A_74, %dma_wait3A_90] : memref<10240x128xf32, #tpu.memory_space<vmem_shared>> -> memref<32x128xf32, #tpu.memory_space<vmem_shared>>
      tpu.wait_dma2 semaphore(%run_scoped3A : memref<!tpu.dma_semaphore, #tpu.memory_space<semaphore_mem>>) src(%arg11 : memref<32x128xf32, #tpu.memory_space<vmem>>) dst(%dma_wait3A_91 : memref<32x128xf32, #tpu.memory_space<vmem_shared>>)
      tpu.yield
    }) : () -> ()
    %add3A_75 = arith.constant 576 : i32
    %add3A_76 = arith.addi %mul3A_38, %add3A_75 : i32
    "tpu.region"() ({
      %run_scoped3A = tpu.sem_alloc : memref<!tpu.dma_semaphore, #tpu.memory_space<semaphore_mem>>
      %dma_start3A_85 = arith.constant 0 : i32
      %dma_start3A_86 = tpu.memref_slice %arg12[%add3A_76, %dma_start3A_85] : memref<10240x128xf32, #tpu.memory_space<vmem_shared>> -> memref<32x128xf32, #tpu.memory_space<vmem_shared>>
      %dma_start3A_87 = arith.constant 0 : i32
      %dma_start3A_88 = tpu.memref_slice %arg12[%add3A_76, %dma_start3A_87] : memref<10240x128xf32, #tpu.memory_space<vmem_shared>> -> memref<32x128xf32, #tpu.memory_space<vmem_shared>>
      tpu.enqueue_dma source(%arg11 : memref<32x128xf32, #tpu.memory_space<vmem>>) target(%dma_start3A_88 : memref<32x128xf32, #tpu.memory_space<vmem_shared>>) target_semaphore(%run_scoped3A : memref<!tpu.dma_semaphore, #tpu.memory_space<semaphore_mem>>)
      %dma_wait3A = arith.constant 0 : i32
      %dma_wait3A_89 = tpu.memref_slice %arg12[%add3A_76, %dma_wait3A] : memref<10240x128xf32, #tpu.memory_space<vmem_shared>> -> memref<32x128xf32, #tpu.memory_space<vmem_shared>>
      %dma_wait3A_90 = arith.constant 0 : i32
      %dma_wait3A_91 = tpu.memref_slice %arg12[%add3A_76, %dma_wait3A_90] : memref<10240x128xf32, #tpu.memory_space<vmem_shared>> -> memref<32x128xf32, #tpu.memory_space<vmem_shared>>
      tpu.wait_dma2 semaphore(%run_scoped3A : memref<!tpu.dma_semaphore, #tpu.memory_space<semaphore_mem>>) src(%arg11 : memref<32x128xf32, #tpu.memory_space<vmem>>) dst(%dma_wait3A_91 : memref<32x128xf32, #tpu.memory_space<vmem_shared>>)
      tpu.yield
    }) : () -> ()
    %add3A_77 = arith.constant 608 : i32
    %add3A_78 = arith.addi %mul3A_38, %add3A_77 : i32
    "tpu.region"() ({
      %run_scoped3A = tpu.sem_alloc : memref<!tpu.dma_semaphore, #tpu.memory_space<semaphore_mem>>
      %dma_start3A_85 = arith.constant 0 : i32
      %dma_start3A_86 = tpu.memref_slice %arg12[%add3A_78, %dma_start3A_85] : memref<10240x128xf32, #tpu.memory_space<vmem_shared>> -> memref<32x128xf32, #tpu.memory_space<vmem_shared>>
      %dma_start3A_87 = arith.constant 0 : i32
      %dma_start3A_88 = tpu.memref_slice %arg12[%add3A_78, %dma_start3A_87] : memref<10240x128xf32, #tpu.memory_space<vmem_shared>> -> memref<32x128xf32, #tpu.memory_space<vmem_shared>>
      tpu.enqueue_dma source(%arg11 : memref<32x128xf32, #tpu.memory_space<vmem>>) target(%dma_start3A_88 : memref<32x128xf32, #tpu.memory_space<vmem_shared>>) target_semaphore(%run_scoped3A : memref<!tpu.dma_semaphore, #tpu.memory_space<semaphore_mem>>)
      %dma_wait3A = arith.constant 0 : i32
      %dma_wait3A_89 = tpu.memref_slice %arg12[%add3A_78, %dma_wait3A] : memref<10240x128xf32, #tpu.memory_space<vmem_shared>> -> memref<32x128xf32, #tpu.memory_space<vmem_shared>>
      %dma_wait3A_90 = arith.constant 0 : i32
      %dma_wait3A_91 = tpu.memref_slice %arg12[%add3A_78, %dma_wait3A_90] : memref<10240x128xf32, #tpu.memory_space<vmem_shared>> -> memref<32x128xf32, #tpu.memory_space<vmem_shared>>
      tpu.wait_dma2 semaphore(%run_scoped3A : memref<!tpu.dma_semaphore, #tpu.memory_space<semaphore_mem>>) src(%arg11 : memref<32x128xf32, #tpu.memory_space<vmem>>) dst(%dma_wait3A_91 : memref<32x128xf32, #tpu.memory_space<vmem_shared>>)
      tpu.yield
    }) : () -> ()
    %barrier3A = arith.constant 0 : index
    tpu.barrier barrier_id(%barrier3A)
    %scan3A_79 = arith.constant 0 : i32
    %scan3A_80 = arith.constant 40 : i32
    %scan3A_81 = arith.addi %scan3A_79, %scan3A_80 : i32
    %scan3A_82 = arith.constant 1 : i32
    scf.for %scan3A_85 = %scan3A_79 to %scan3A_81 step %scan3A_82  : i32 {
      %mul3A_86 = arith.constant 2 : i32
      %mul3A_87 = arith.muli %scan3A_85, %mul3A_86 : i32
      %add3A_88 = arith.constant 0 : i32
      %add3A_89 = arith.addi %add3A_88, %mul3A_87 : i32
      %add3A_90 = arith.constant 0 : i32
      %add3A_91 = arith.addi %add3A_89, %add3A_90 : i32
      %dma_wait3A = arith.constant 1 : i32
      %dma_wait3A_92 = arith.constant 0 : i32
      %dma_wait3A_93 = arith.constant 0 : i32
      %dma_wait3A_94 = tpu.memref_slice %arg8[%dma_wait3A_92, %dma_wait3A_93] : memref<2x128xi32, #tpu.memory_space<vmem>> -> memref<1x128xi32, #tpu.memory_space<vmem>>
      %dma_wait3A_95 = tpu.memref_squeeze %dma_wait3A_94 : memref<1x128xi32, #tpu.memory_space<vmem>> -> memref<128xi32, #tpu.memory_space<vmem>>
      %dma_wait3A_96 = arith.constant 0 : i32
      %dma_wait3A_97 = tpu.memref_slice %arg3[%dma_wait3A, %dma_wait3A_96] : memref<2x320000xi32, #tpu.memory_space<hbm>> -> memref<1x128xi32, #tpu.memory_space<hbm>>
      %dma_wait3A_98 = tpu.memref_squeeze %dma_wait3A_97 : memref<1x128xi32, #tpu.memory_space<hbm>> -> memref<128xi32, #tpu.memory_space<hbm>>
      %dma_wait3A_99 = arith.constant 0 : i32
      %dma_wait3A_100 = tpu.memref_slice %arg8[%dma_wait3A_92, %dma_wait3A_99] : memref<2x128xi32, #tpu.memory_space<vmem>> -> memref<1x128xi32, #tpu.memory_space<vmem>>
      %dma_wait3A_101 = tpu.memref_squeeze %dma_wait3A_100 : memref<1x128xi32, #tpu.memory_space<vmem>> -> memref<128xi32, #tpu.memory_space<vmem>>
      %dma_wait3A_102 = arith.constant 0 : i32
      %dma_wait3A_103 = tpu.memref_slice %arg3[%dma_wait3A, %dma_wait3A_102] : memref<2x320000xi32, #tpu.memory_space<hbm>> -> memref<1x128xi32, #tpu.memory_space<hbm>>
      %dma_wait3A_104 = tpu.memref_squeeze %dma_wait3A_103 : memref<1x128xi32, #tpu.memory_space<hbm>> -> memref<128xi32, #tpu.memory_space<hbm>>
      tpu.wait_dma2 semaphore(%arg15 : memref<!tpu.dma_semaphore, #tpu.memory_space<semaphore_mem>>) src(%dma_wait3A_104 : memref<128xi32, #tpu.memory_space<hbm>>) dst(%dma_wait3A_101 : memref<128xi32, #tpu.memory_space<vmem>>)
      %dma_wait3A_105 = arith.constant 0 : i32
      %dma_wait3A_106 = tpu.memref_slice %arg7[%dma_wait3A_105] : memref<10240xi32, #tpu.memory_space<vmem>> -> memref<128xi32, #tpu.memory_space<vmem>>
      %dma_wait3A_107 = arith.constant 0 : i32
      %dma_wait3A_108 = arith.constant 0 : i32
      %dma_wait3A_109 = tpu.memref_slice %arg2[%dma_wait3A_107, %dma_wait3A_108] : memref<10000x128xf32, #tpu.memory_space<hbm>> -> memref<10000x128xf32, #tpu.memory_space<hbm>>
      tpu.wait_indirect_dma semaphore(%arg13 : memref<!tpu.dma_semaphore, #tpu.memory_space<semaphore_mem>>) src(%dma_wait3A_109 : memref<10000x128xf32, #tpu.memory_space<hbm>>) dst(%arg9 : memref<128x128xf32, #tpu.memory_space<vmem>>)
      %run_scoped3A = arith.constant 0 : i32
      "tpu.region"() ({
        %run_scoped3A_145 = tpu.sem_alloc : memref<!tpu.dma_semaphore, #tpu.memory_space<semaphore_mem>>
        %dma_start3A_146 = arith.constant 0 : i32
        %dma_start3A_147 = tpu.memref_slice %arg8[%run_scoped3A, %dma_start3A_146] : memref<2x128xi32, #tpu.memory_space<vmem>> -> memref<1x128xi32, #tpu.memory_space<vmem>>
        %dma_start3A_148 = tpu.memref_squeeze %dma_start3A_147 : memref<1x128xi32, #tpu.memory_space<vmem>> -> memref<128xi32, #tpu.memory_space<vmem>>
        %dma_start3A_149 = arith.constant 0 : i32
        %dma_start3A_150 = arith.constant 0 : i32
        %dma_start3A_151 = tpu.memref_slice %arg12[%dma_start3A_149, %dma_start3A_150] : memref<10240x128xf32, #tpu.memory_space<vmem_shared>> -> memref<10240x128xf32, #tpu.memory_space<vmem_shared>>
        tpu.enqueue_indirect_dma source(%arg9 : memref<128x128xf32, #tpu.memory_space<vmem>>) target(%dma_start3A_151 : memref<10240x128xf32, #tpu.memory_space<vmem_shared>>) offsets(%dma_start3A_148 : memref<128xi32, #tpu.memory_space<vmem>>) semaphore(%run_scoped3A_145 : memref<!tpu.dma_semaphore, #tpu.memory_space<semaphore_mem>>) {add = true}
        %dma_wait3A_152 = arith.constant 0 : i32
        %dma_wait3A_153 = tpu.memref_slice %arg8[%run_scoped3A, %dma_wait3A_152] : memref<2x128xi32, #tpu.memory_space<vmem>> -> memref<1x128xi32, #tpu.memory_space<vmem>>
        %dma_wait3A_154 = tpu.memref_squeeze %dma_wait3A_153 : memref<1x128xi32, #tpu.memory_space<vmem>> -> memref<128xi32, #tpu.memory_space<vmem>>
        %dma_wait3A_155 = arith.constant 0 : i32
        %dma_wait3A_156 = arith.constant 0 : i32
        %dma_wait3A_157 = tpu.memref_slice %arg12[%dma_wait3A_155, %dma_wait3A_156] : memref<10240x128xf32, #tpu.memory_space<vmem_shared>> -> memref<10240x128xf32, #tpu.memory_space<vmem_shared>>
        tpu.wait_indirect_dma semaphore(%run_scoped3A_145 : memref<!tpu.dma_semaphore, #tpu.memory_space<semaphore_mem>>) src(%arg9 : memref<128x128xf32, #tpu.memory_space<vmem>>) dst(%dma_wait3A_157 : memref<10240x128xf32, #tpu.memory_space<vmem_shared>>)
        tpu.yield
      }) : () -> ()
      %add3A_110 = arith.constant 2 : i32
      %add3A_111 = arith.addi %add3A_91, %add3A_110 : i32
      %lt3A = arith.constant 80 : i32
      %lt3A_112 = arith.cmpi slt, %add3A_111, %lt3A : i32
      %convert_element_type3A_113 = arith.extui %lt3A_112 : i1 to i32
      %cond3A_114 = arith.constant 0 : i32
      %cond3A_115 = arith.cmpi ne, %convert_element_type3A_113, %cond3A_114 : i32
      scf.if %cond3A_115 {
        %add3A_145 = arith.constant 2 : i32
        %add3A_146 = arith.addi %add3A_91, %add3A_145 : i32
        %not3A_147 = arith.constant true
        %not3A_148 = arith.xori %eq3A_1, %not3A_147 : i1
        %convert_element_type3A_149 = arith.extui %not3A_148 : i1 to i32
        %cond3A_150 = arith.constant 0 : i32
        %cond3A_151 = arith.cmpi ne, %convert_element_type3A_149, %cond3A_150 : i32
        scf.if %cond3A_151 {
          %mul3A_163 = arith.constant 10240 : i32
          %mul3A_164 = arith.muli %add3A, %mul3A_163 : i32
          %mul3A_165 = arith.constant 128 : i32
          %mul3A_166 = arith.muli %add3A_146, %mul3A_165 : i32
          %add3A_167 = arith.addi %mul3A_164, %mul3A_166 : i32
          %dma_start3A_168 = arith.constant 1 : i32
          %dma_start3A_169 = arith.constant 0 : i32
          %dma_start3A_170 = arith.constant 0 : i32
          %dma_start3A_171 = tpu.memref_slice %arg8[%dma_start3A_169, %dma_start3A_170] : memref<2x128xi32, #tpu.memory_space<vmem>> -> memref<1x128xi32, #tpu.memory_space<vmem>>
          %dma_start3A_172 = tpu.memref_squeeze %dma_start3A_171 : memref<1x128xi32, #tpu.memory_space<vmem>> -> memref<128xi32, #tpu.memory_space<vmem>>
          %dma_start3A_173 = tpu.memref_slice %arg3[%dma_start3A_168, %add3A_167] : memref<2x320000xi32, #tpu.memory_space<hbm>> -> memref<1x128xi32, #tpu.memory_space<hbm>>
          %dma_start3A_174 = tpu.memref_squeeze %dma_start3A_173 : memref<1x128xi32, #tpu.memory_space<hbm>> -> memref<128xi32, #tpu.memory_space<hbm>>
          %dma_start3A_175 = arith.constant 0 : i32
          %dma_start3A_176 = tpu.memref_slice %arg8[%dma_start3A_169, %dma_start3A_175] : memref<2x128xi32, #tpu.memory_space<vmem>> -> memref<1x128xi32, #tpu.memory_space<vmem>>
          %dma_start3A_177 = tpu.memref_squeeze %dma_start3A_176 : memref<1x128xi32, #tpu.memory_space<vmem>> -> memref<128xi32, #tpu.memory_space<vmem>>
          %dma_start3A_178 = tpu.memref_slice %arg3[%dma_start3A_168, %add3A_167] : memref<2x320000xi32, #tpu.memory_space<hbm>> -> memref<1x128xi32, #tpu.memory_space<hbm>>
          %dma_start3A_179 = tpu.memref_squeeze %dma_start3A_178 : memref<1x128xi32, #tpu.memory_space<hbm>> -> memref<128xi32, #tpu.memory_space<hbm>>
          tpu.enqueue_dma source(%dma_start3A_179 : memref<128xi32, #tpu.memory_space<hbm>>) target(%dma_start3A_177 : memref<128xi32, #tpu.memory_space<vmem>>) target_semaphore(%arg15 : memref<!tpu.dma_semaphore, #tpu.memory_space<semaphore_mem>>)
        } else {
        }
        %convert_element_type3A_152 = arith.extui %eq3A_1 : i1 to i32
        %cond3A_153 = arith.constant 0 : i32
        %cond3A_154 = arith.cmpi ne, %convert_element_type3A_152, %cond3A_153 : i32
        scf.if %cond3A_154 {
          %mul3A_163 = arith.constant 128 : i32
          %mul3A_164 = arith.muli %add3A_146, %mul3A_163 : i32
          %dma_start3A_165 = arith.constant 0 : i32
          %dma_start3A_166 = arith.constant 0 : i32
          %dma_start3A_167 = arith.constant 0 : i32
          %dma_start3A_168 = tpu.memref_slice %arg8[%dma_start3A_166, %dma_start3A_167] : memref<2x128xi32, #tpu.memory_space<vmem>> -> memref<1x128xi32, #tpu.memory_space<vmem>>
          %dma_start3A_169 = tpu.memref_squeeze %dma_start3A_168 : memref<1x128xi32, #tpu.memory_space<vmem>> -> memref<128xi32, #tpu.memory_space<vmem>>
          %dma_start3A_170 = tpu.memref_slice %arg5[%dma_start3A_165, %mul3A_164] : memref<1x10240xi32, #tpu.memory_space<hbm>> -> memref<1x128xi32, #tpu.memory_space<hbm>>
          %dma_start3A_171 = tpu.memref_squeeze %dma_start3A_170 : memref<1x128xi32, #tpu.memory_space<hbm>> -> memref<128xi32, #tpu.memory_space<hbm>>
          %dma_start3A_172 = arith.constant 0 : i32
          %dma_start3A_173 = tpu.memref_slice %arg8[%dma_start3A_166, %dma_start3A_172] : memref<2x128xi32, #tpu.memory_space<vmem>> -> memref<1x128xi32, #tpu.memory_space<vmem>>
          %dma_start3A_174 = tpu.memref_squeeze %dma_start3A_173 : memref<1x128xi32, #tpu.memory_space<vmem>> -> memref<128xi32, #tpu.memory_space<vmem>>
          %dma_start3A_175 = tpu.memref_slice %arg5[%dma_start3A_165, %mul3A_164] : memref<1x10240xi32, #tpu.memory_space<hbm>> -> memref<1x128xi32, #tpu.memory_space<hbm>>
          %dma_start3A_176 = tpu.memref_squeeze %dma_start3A_175 : memref<1x128xi32, #tpu.memory_space<hbm>> -> memref<128xi32, #tpu.memory_space<hbm>>
          tpu.enqueue_dma source(%dma_start3A_176 : memref<128xi32, #tpu.memory_space<hbm>>) target(%dma_start3A_174 : memref<128xi32, #tpu.memory_space<vmem>>) target_semaphore(%arg15 : memref<!tpu.dma_semaphore, #tpu.memory_space<semaphore_mem>>)
        } else {
        }
        %add3A_155 = arith.constant 2 : i32
        %add3A_156 = arith.addi %add3A_91, %add3A_155 : i32
        %mul3A_157 = arith.constant 128 : i32
        %mul3A_158 = arith.muli %add3A_156, %mul3A_157 : i32
        %dma_start3A_159 = tpu.memref_slice %arg7[%mul3A_158] : memref<10240xi32, #tpu.memory_space<vmem>> -> memref<128xi32, #tpu.memory_space<vmem>>
        %dma_start3A_160 = arith.constant 0 : i32
        %dma_start3A_161 = arith.constant 0 : i32
        %dma_start3A_162 = tpu.memref_slice %arg2[%dma_start3A_160, %dma_start3A_161] : memref<10000x128xf32, #tpu.memory_space<hbm>> -> memref<10000x128xf32, #tpu.memory_space<hbm>>
        tpu.enqueue_indirect_dma source(%dma_start3A_162 : memref<10000x128xf32, #tpu.memory_space<hbm>>) target(%arg9 : memref<128x128xf32, #tpu.memory_space<vmem>>) offsets(%dma_start3A_159 : memref<128xi32, #tpu.memory_space<vmem>>) semaphore(%arg13 : memref<!tpu.dma_semaphore, #tpu.memory_space<semaphore_mem>>)
      } else {
      }
      %add3A_116 = arith.constant 1 : i32
      %add3A_117 = arith.addi %add3A_89, %add3A_116 : i32
      %dma_wait3A_118 = arith.constant 1 : i32
      %dma_wait3A_119 = arith.constant 1 : i32
      %dma_wait3A_120 = arith.constant 0 : i32
      %dma_wait3A_121 = tpu.memref_slice %arg8[%dma_wait3A_119, %dma_wait3A_120] : memref<2x128xi32, #tpu.memory_space<vmem>> -> memref<1x128xi32, #tpu.memory_space<vmem>>
      %dma_wait3A_122 = tpu.memref_squeeze %dma_wait3A_121 : memref<1x128xi32, #tpu.memory_space<vmem>> -> memref<128xi32, #tpu.memory_space<vmem>>
      %dma_wait3A_123 = arith.constant 0 : i32
      %dma_wait3A_124 = tpu.memref_slice %arg3[%dma_wait3A_118, %dma_wait3A_123] : memref<2x320000xi32, #tpu.memory_space<hbm>> -> memref<1x128xi32, #tpu.memory_space<hbm>>
      %dma_wait3A_125 = tpu.memref_squeeze %dma_wait3A_124 : memref<1x128xi32, #tpu.memory_space<hbm>> -> memref<128xi32, #tpu.memory_space<hbm>>
      %dma_wait3A_126 = arith.constant 0 : i32
      %dma_wait3A_127 = tpu.memref_slice %arg8[%dma_wait3A_119, %dma_wait3A_126] : memref<2x128xi32, #tpu.memory_space<vmem>> -> memref<1x128xi32, #tpu.memory_space<vmem>>
      %dma_wait3A_128 = tpu.memref_squeeze %dma_wait3A_127 : memref<1x128xi32, #tpu.memory_space<vmem>> -> memref<128xi32, #tpu.memory_space<vmem>>
      %dma_wait3A_129 = arith.constant 0 : i32
      %dma_wait3A_130 = tpu.memref_slice %arg3[%dma_wait3A_118, %dma_wait3A_129] : memref<2x320000xi32, #tpu.memory_space<hbm>> -> memref<1x128xi32, #tpu.memory_space<hbm>>
      %dma_wait3A_131 = tpu.memref_squeeze %dma_wait3A_130 : memref<1x128xi32, #tpu.memory_space<hbm>> -> memref<128xi32, #tpu.memory_space<hbm>>
      tpu.wait_dma2 semaphore(%arg16 : memref<!tpu.dma_semaphore, #tpu.memory_space<semaphore_mem>>) src(%dma_wait3A_131 : memref<128xi32, #tpu.memory_space<hbm>>) dst(%dma_wait3A_128 : memref<128xi32, #tpu.memory_space<vmem>>)
      %dma_wait3A_132 = arith.constant 0 : i32
      %dma_wait3A_133 = tpu.memref_slice %arg7[%dma_wait3A_132] : memref<10240xi32, #tpu.memory_space<vmem>> -> memref<128xi32, #tpu.memory_space<vmem>>
      %dma_wait3A_134 = arith.constant 0 : i32
      %dma_wait3A_135 = arith.constant 0 : i32
      %dma_wait3A_136 = tpu.memref_slice %arg2[%dma_wait3A_134, %dma_wait3A_135] : memref<10000x128xf32, #tpu.memory_space<hbm>> -> memref<10000x128xf32, #tpu.memory_space<hbm>>
      tpu.wait_indirect_dma semaphore(%arg14 : memref<!tpu.dma_semaphore, #tpu.memory_space<semaphore_mem>>) src(%dma_wait3A_136 : memref<10000x128xf32, #tpu.memory_space<hbm>>) dst(%arg10 : memref<128x128xf32, #tpu.memory_space<vmem>>)
      %run_scoped3A_137 = arith.constant 1 : i32
      "tpu.region"() ({
        %run_scoped3A_145 = tpu.sem_alloc : memref<!tpu.dma_semaphore, #tpu.memory_space<semaphore_mem>>
        %dma_start3A_146 = arith.constant 0 : i32
        %dma_start3A_147 = tpu.memref_slice %arg8[%run_scoped3A_137, %dma_start3A_146] : memref<2x128xi32, #tpu.memory_space<vmem>> -> memref<1x128xi32, #tpu.memory_space<vmem>>
        %dma_start3A_148 = tpu.memref_squeeze %dma_start3A_147 : memref<1x128xi32, #tpu.memory_space<vmem>> -> memref<128xi32, #tpu.memory_space<vmem>>
        %dma_start3A_149 = arith.constant 0 : i32
        %dma_start3A_150 = arith.constant 0 : i32
        %dma_start3A_151 = tpu.memref_slice %arg12[%dma_start3A_149, %dma_start3A_150] : memref<10240x128xf32, #tpu.memory_space<vmem_shared>> -> memref<10240x128xf32, #tpu.memory_space<vmem_shared>>
        tpu.enqueue_indirect_dma source(%arg10 : memref<128x128xf32, #tpu.memory_space<vmem>>) target(%dma_start3A_151 : memref<10240x128xf32, #tpu.memory_space<vmem_shared>>) offsets(%dma_start3A_148 : memref<128xi32, #tpu.memory_space<vmem>>) semaphore(%run_scoped3A_145 : memref<!tpu.dma_semaphore, #tpu.memory_space<semaphore_mem>>) {add = true}
        %dma_wait3A_152 = arith.constant 0 : i32
        %dma_wait3A_153 = tpu.memref_slice %arg8[%run_scoped3A_137, %dma_wait3A_152] : memref<2x128xi32, #tpu.memory_space<vmem>> -> memref<1x128xi32, #tpu.memory_space<vmem>>
        %dma_wait3A_154 = tpu.memref_squeeze %dma_wait3A_153 : memref<1x128xi32, #tpu.memory_space<vmem>> -> memref<128xi32, #tpu.memory_space<vmem>>
        %dma_wait3A_155 = arith.constant 0 : i32
        %dma_wait3A_156 = arith.constant 0 : i32
        %dma_wait3A_157 = tpu.memref_slice %arg12[%dma_wait3A_155, %dma_wait3A_156] : memref<10240x128xf32, #tpu.memory_space<vmem_shared>> -> memref<10240x128xf32, #tpu.memory_space<vmem_shared>>
        tpu.wait_indirect_dma semaphore(%run_scoped3A_145 : memref<!tpu.dma_semaphore, #tpu.memory_space<semaphore_mem>>) src(%arg10 : memref<128x128xf32, #tpu.memory_space<vmem>>) dst(%dma_wait3A_157 : memref<10240x128xf32, #tpu.memory_space<vmem_shared>>)
        tpu.yield
      }) : () -> ()
      %add3A_138 = arith.constant 2 : i32
      %add3A_139 = arith.addi %add3A_117, %add3A_138 : i32
      %lt3A_140 = arith.constant 80 : i32
      %lt3A_141 = arith.cmpi slt, %add3A_139, %lt3A_140 : i32
      %convert_element_type3A_142 = arith.extui %lt3A_141 : i1 to i32
      %cond3A_143 = arith.constant 0 : i32
      %cond3A_144 = arith.cmpi ne, %convert_element_type3A_142, %cond3A_143 : i32
      scf.if %cond3A_144 {
        %add3A_145 = arith.constant 2 : i32
        %add3A_146 = arith.addi %add3A_117, %add3A_145 : i32
        %not3A_147 = arith.constant true
        %not3A_148 = arith.xori %eq3A_1, %not3A_147 : i1
        %convert_element_type3A_149 = arith.extui %not3A_148 : i1 to i32
        %cond3A_150 = arith.constant 0 : i32
        %cond3A_151 = arith.cmpi ne, %convert_element_type3A_149, %cond3A_150 : i32
        scf.if %cond3A_151 {
          %mul3A_163 = arith.constant 10240 : i32
          %mul3A_164 = arith.muli %add3A, %mul3A_163 : i32
          %mul3A_165 = arith.constant 128 : i32
          %mul3A_166 = arith.muli %add3A_146, %mul3A_165 : i32
          %add3A_167 = arith.addi %mul3A_164, %mul3A_166 : i32
          %dma_start3A_168 = arith.constant 1 : i32
          %dma_start3A_169 = arith.constant 1 : i32
          %dma_start3A_170 = arith.constant 0 : i32
          %dma_start3A_171 = tpu.memref_slice %arg8[%dma_start3A_169, %dma_start3A_170] : memref<2x128xi32, #tpu.memory_space<vmem>> -> memref<1x128xi32, #tpu.memory_space<vmem>>
          %dma_start3A_172 = tpu.memref_squeeze %dma_start3A_171 : memref<1x128xi32, #tpu.memory_space<vmem>> -> memref<128xi32, #tpu.memory_space<vmem>>
          %dma_start3A_173 = tpu.memref_slice %arg3[%dma_start3A_168, %add3A_167] : memref<2x320000xi32, #tpu.memory_space<hbm>> -> memref<1x128xi32, #tpu.memory_space<hbm>>
          %dma_start3A_174 = tpu.memref_squeeze %dma_start3A_173 : memref<1x128xi32, #tpu.memory_space<hbm>> -> memref<128xi32, #tpu.memory_space<hbm>>
          %dma_start3A_175 = arith.constant 0 : i32
          %dma_start3A_176 = tpu.memref_slice %arg8[%dma_start3A_169, %dma_start3A_175] : memref<2x128xi32, #tpu.memory_space<vmem>> -> memref<1x128xi32, #tpu.memory_space<vmem>>
          %dma_start3A_177 = tpu.memref_squeeze %dma_start3A_176 : memref<1x128xi32, #tpu.memory_space<vmem>> -> memref<128xi32, #tpu.memory_space<vmem>>
          %dma_start3A_178 = tpu.memref_slice %arg3[%dma_start3A_168, %add3A_167] : memref<2x320000xi32, #tpu.memory_space<hbm>> -> memref<1x128xi32, #tpu.memory_space<hbm>>
          %dma_start3A_179 = tpu.memref_squeeze %dma_start3A_178 : memref<1x128xi32, #tpu.memory_space<hbm>> -> memref<128xi32, #tpu.memory_space<hbm>>
          tpu.enqueue_dma source(%dma_start3A_179 : memref<128xi32, #tpu.memory_space<hbm>>) target(%dma_start3A_177 : memref<128xi32, #tpu.memory_space<vmem>>) target_semaphore(%arg16 : memref<!tpu.dma_semaphore, #tpu.memory_space<semaphore_mem>>)
        } else {
        }
        %convert_element_type3A_152 = arith.extui %eq3A_1 : i1 to i32
        %cond3A_153 = arith.constant 0 : i32
        %cond3A_154 = arith.cmpi ne, %convert_element_type3A_152, %cond3A_153 : i32
        scf.if %cond3A_154 {
          %mul3A_163 = arith.constant 128 : i32
          %mul3A_164 = arith.muli %add3A_146, %mul3A_163 : i32
          %dma_start3A_165 = arith.constant 0 : i32
          %dma_start3A_166 = arith.constant 1 : i32
          %dma_start3A_167 = arith.constant 0 : i32
          %dma_start3A_168 = tpu.memref_slice %arg8[%dma_start3A_166, %dma_start3A_167] : memref<2x128xi32, #tpu.memory_space<vmem>> -> memref<1x128xi32, #tpu.memory_space<vmem>>
          %dma_start3A_169 = tpu.memref_squeeze %dma_start3A_168 : memref<1x128xi32, #tpu.memory_space<vmem>> -> memref<128xi32, #tpu.memory_space<vmem>>
          %dma_start3A_170 = tpu.memref_slice %arg5[%dma_start3A_165, %mul3A_164] : memref<1x10240xi32, #tpu.memory_space<hbm>> -> memref<1x128xi32, #tpu.memory_space<hbm>>
          %dma_start3A_171 = tpu.memref_squeeze %dma_start3A_170 : memref<1x128xi32, #tpu.memory_space<hbm>> -> memref<128xi32, #tpu.memory_space<hbm>>
          %dma_start3A_172 = arith.constant 0 : i32
          %dma_start3A_173 = tpu.memref_slice %arg8[%dma_start3A_166, %dma_start3A_172] : memref<2x128xi32, #tpu.memory_space<vmem>> -> memref<1x128xi32, #tpu.memory_space<vmem>>
          %dma_start3A_174 = tpu.memref_squeeze %dma_start3A_173 : memref<1x128xi32, #tpu.memory_space<vmem>> -> memref<128xi32, #tpu.memory_space<vmem>>
          %dma_start3A_175 = tpu.memref_slice %arg5[%dma_start3A_165, %mul3A_164] : memref<1x10240xi32, #tpu.memory_space<hbm>> -> memref<1x128xi32, #tpu.memory_space<hbm>>
          %dma_start3A_176 = tpu.memref_squeeze %dma_start3A_175 : memref<1x128xi32, #tpu.memory_space<hbm>> -> memref<128xi32, #tpu.memory_space<hbm>>
          tpu.enqueue_dma source(%dma_start3A_176 : memref<128xi32, #tpu.memory_space<hbm>>) target(%dma_start3A_174 : memref<128xi32, #tpu.memory_space<vmem>>) target_semaphore(%arg16 : memref<!tpu.dma_semaphore, #tpu.memory_space<semaphore_mem>>)
        } else {
        }
        %add3A_155 = arith.constant 2 : i32
        %add3A_156 = arith.addi %add3A_117, %add3A_155 : i32
        %mul3A_157 = arith.constant 128 : i32
        %mul3A_158 = arith.muli %add3A_156, %mul3A_157 : i32
        %dma_start3A_159 = tpu.memref_slice %arg7[%mul3A_158] : memref<10240xi32, #tpu.memory_space<vmem>> -> memref<128xi32, #tpu.memory_space<vmem>>
        %dma_start3A_160 = arith.constant 0 : i32
        %dma_start3A_161 = arith.constant 0 : i32
        %dma_start3A_162 = tpu.memref_slice %arg2[%dma_start3A_160, %dma_start3A_161] : memref<10000x128xf32, #tpu.memory_space<hbm>> -> memref<10000x128xf32, #tpu.memory_space<hbm>>
        tpu.enqueue_indirect_dma source(%dma_start3A_162 : memref<10000x128xf32, #tpu.memory_space<hbm>>) target(%arg10 : memref<128x128xf32, #tpu.memory_space<vmem>>) offsets(%dma_start3A_159 : memref<128xi32, #tpu.memory_space<vmem>>) semaphore(%arg14 : memref<!tpu.dma_semaphore, #tpu.memory_space<semaphore_mem>>)
      } else {
      }
    }
    %scan3A_83 = arith.constant 40 : i32
    %barrier3A_84 = arith.constant 0 : index
    tpu.barrier barrier_id(%barrier3A_84)
    "tpu.region"() ({
      %run_scoped3A = tpu.sem_alloc : memref<!tpu.dma_semaphore, #tpu.memory_space<semaphore_mem>>
      %dma_start3A_85 = arith.constant 0 : i32
      %dma_start3A_86 = tpu.memref_slice %arg6[%arg0, %mul3A_38, %dma_start3A_85] : memref<2x10240x128xf32, #tpu.memory_space<hbm>> -> memref<1x640x128xf32, #tpu.memory_space<hbm>>
      %dma_start3A_87 = tpu.memref_squeeze %dma_start3A_86 : memref<1x640x128xf32, #tpu.memory_space<hbm>> -> memref<640x128xf32, #tpu.memory_space<hbm>>
      %dma_start3A_88 = arith.constant 0 : i32
      %dma_start3A_89 = tpu.memref_slice %arg12[%mul3A_38, %dma_start3A_88] : memref<10240x128xf32, #tpu.memory_space<vmem_shared>> -> memref<640x128xf32, #tpu.memory_space<vmem_shared>>
      tpu.enqueue_dma source(%dma_start3A_89 : memref<640x128xf32, #tpu.memory_space<vmem_shared>>) target(%dma_start3A_87 : memref<640x128xf32, #tpu.memory_space<hbm>>) target_semaphore(%run_scoped3A : memref<!tpu.dma_semaphore, #tpu.memory_space<semaphore_mem>>)
      %dma_wait3A = arith.constant 0 : i32
      %dma_wait3A_90 = tpu.memref_slice %arg6[%arg0, %mul3A_38, %dma_wait3A] : memref<2x10240x128xf32, #tpu.memory_space<hbm>> -> memref<1x640x128xf32, #tpu.memory_space<hbm>>
      %dma_wait3A_91 = tpu.memref_squeeze %dma_wait3A_90 : memref<1x640x128xf32, #tpu.memory_space<hbm>> -> memref<640x128xf32, #tpu.memory_space<hbm>>
      %dma_wait3A_92 = arith.constant 0 : i32
      %dma_wait3A_93 = tpu.memref_slice %arg12[%mul3A_38, %dma_wait3A_92] : memref<10240x128xf32, #tpu.memory_space<vmem_shared>> -> memref<640x128xf32, #tpu.memory_space<vmem_shared>>
      tpu.wait_dma2 semaphore(%run_scoped3A : memref<!tpu.dma_semaphore, #tpu.memory_space<semaphore_mem>>) src(%dma_wait3A_93 : memref<640x128xf32, #tpu.memory_space<vmem_shared>>) dst(%dma_wait3A_91 : memref<640x128xf32, #tpu.memory_space<hbm>>)
      tpu.yield
    }) : () -> ()
    return
  }
}

#map = affine_map<(d0, d1) -> (0, 0)>
module attributes {stable_mosaic.version = 14 : i64} {
  func.func @deg_kernel(%arg0: i32, %arg1: i32, %arg2: memref<2x320000xi32, #tpu.memory_space<hbm>>, %arg3: memref<1x10240xi32, #tpu.memory_space<hbm>>, %arg4: memref<32x10240xf32, #tpu.memory_space<hbm>>, %arg5: memref<10240xi32, #tpu.memory_space<vmem>>, %arg6: memref<10240xf32, #tpu.memory_space<vmem>>) attributes {dimension_semantics = [#tpu.dimension_semantics<core_parallel>, #tpu.dimension_semantics<subcore_parallel>], iteration_bounds = array<i64: 2, 16>, scalar_prefetch = 0 : i64, scratch_operands = 2 : i64, tpu.core_type = #tpu.core_type<sc_vector_subcore>, window_params = [{transform_indices = #map}, {transform_indices = #map}, {transform_indices = #map}]} {
    %mul3A = arith.constant 16 : i32
    %mul3A_0 = arith.muli %arg0, %mul3A : i32
    %add3A = arith.addi %mul3A_0, %arg1 : i32
    %broadcast_in_dim3A = arith.constant 0.000000e+00 : f32
    %broadcast_in_dim3A_1 = vector.broadcast %broadcast_in_dim3A : f32 to vector<16xf32>
    %scan3A = arith.constant 0 : i32
    %scan3A_2 = arith.constant 640 : i32
    %scan3A_3 = arith.addi %scan3A, %scan3A_2 : i32
    %scan3A_4 = arith.constant 8 : i32
    scf.for %scan3A_19 = %scan3A to %scan3A_3 step %scan3A_4  : i32 {
      %mul3A_20 = arith.constant 1 : i32
      %mul3A_21 = arith.muli %scan3A_19, %mul3A_20 : i32
      %add3A_22 = arith.constant 0 : i32
      %add3A_23 = arith.addi %add3A_22, %mul3A_21 : i32
      %mul3A_24 = arith.constant 16 : i32
      %mul3A_25 = arith.muli %add3A_23, %mul3A_24 : i32
      %swap3A = arith.index_cast %mul3A_25 : i32 to index
      %swap3A_26 = tpu.vector_load %arg6[%swap3A] {strides = array<i32>} : memref<10240xf32, #tpu.memory_space<vmem>>, vector<16xf32>,
      tpu.vector_store %arg6[%swap3A], %broadcast_in_dim3A_1 {strides = array<i32>} : memref<10240xf32, #tpu.memory_space<vmem>>, vector<16xf32>,
      %scan3A_27 = arith.constant 1 : i32
      %scan3A_28 = arith.addi %scan3A_19, %scan3A_27 : i32
      %mul3A_29 = arith.constant 1 : i32
      %mul3A_30 = arith.muli %scan3A_28, %mul3A_29 : i32
      %add3A_31 = arith.constant 0 : i32
      %add3A_32 = arith.addi %add3A_31, %mul3A_30 : i32
      %mul3A_33 = arith.constant 16 : i32
      %mul3A_34 = arith.muli %add3A_32, %mul3A_33 : i32
      %swap3A_35 = arith.index_cast %mul3A_34 : i32 to index
      %swap3A_36 = tpu.vector_load %arg6[%swap3A_35] {strides = array<i32>} : memref<10240xf32, #tpu.memory_space<vmem>>, vector<16xf32>,
      tpu.vector_store %arg6[%swap3A_35], %broadcast_in_dim3A_1 {strides = array<i32>} : memref<10240xf32, #tpu.memory_space<vmem>>, vector<16xf32>,
      %scan3A_37 = arith.constant 2 : i32
      %scan3A_38 = arith.addi %scan3A_19, %scan3A_37 : i32
      %mul3A_39 = arith.constant 1 : i32
      %mul3A_40 = arith.muli %scan3A_38, %mul3A_39 : i32
      %add3A_41 = arith.constant 0 : i32
      %add3A_42 = arith.addi %add3A_41, %mul3A_40 : i32
      %mul3A_43 = arith.constant 16 : i32
      %mul3A_44 = arith.muli %add3A_42, %mul3A_43 : i32
      %swap3A_45 = arith.index_cast %mul3A_44 : i32 to index
      %swap3A_46 = tpu.vector_load %arg6[%swap3A_45] {strides = array<i32>} : memref<10240xf32, #tpu.memory_space<vmem>>, vector<16xf32>,
      tpu.vector_store %arg6[%swap3A_45], %broadcast_in_dim3A_1 {strides = array<i32>} : memref<10240xf32, #tpu.memory_space<vmem>>, vector<16xf32>,
      %scan3A_47 = arith.constant 3 : i32
      %scan3A_48 = arith.addi %scan3A_19, %scan3A_47 : i32
      %mul3A_49 = arith.constant 1 : i32
      %mul3A_50 = arith.muli %scan3A_48, %mul3A_49 : i32
      %add3A_51 = arith.constant 0 : i32
      %add3A_52 = arith.addi %add3A_51, %mul3A_50 : i32
      %mul3A_53 = arith.constant 16 : i32
      %mul3A_54 = arith.muli %add3A_52, %mul3A_53 : i32
      %swap3A_55 = arith.index_cast %mul3A_54 : i32 to index
      %swap3A_56 = tpu.vector_load %arg6[%swap3A_55] {strides = array<i32>} : memref<10240xf32, #tpu.memory_space<vmem>>, vector<16xf32>,
      tpu.vector_store %arg6[%swap3A_55], %broadcast_in_dim3A_1 {strides = array<i32>} : memref<10240xf32, #tpu.memory_space<vmem>>, vector<16xf32>,
      %scan3A_57 = arith.constant 4 : i32
      %scan3A_58 = arith.addi %scan3A_19, %scan3A_57 : i32
      %mul3A_59 = arith.constant 1 : i32
      %mul3A_60 = arith.muli %scan3A_58, %mul3A_59 : i32
      %add3A_61 = arith.constant 0 : i32
      %add3A_62 = arith.addi %add3A_61, %mul3A_60 : i32
      %mul3A_63 = arith.constant 16 : i32
      %mul3A_64 = arith.muli %add3A_62, %mul3A_63 : i32
      %swap3A_65 = arith.index_cast %mul3A_64 : i32 to index
      %swap3A_66 = tpu.vector_load %arg6[%swap3A_65] {strides = array<i32>} : memref<10240xf32, #tpu.memory_space<vmem>>, vector<16xf32>,
      tpu.vector_store %arg6[%swap3A_65], %broadcast_in_dim3A_1 {strides = array<i32>} : memref<10240xf32, #tpu.memory_space<vmem>>, vector<16xf32>,
      %scan3A_67 = arith.constant 5 : i32
      %scan3A_68 = arith.addi %scan3A_19, %scan3A_67 : i32
      %mul3A_69 = arith.constant 1 : i32
      %mul3A_70 = arith.muli %scan3A_68, %mul3A_69 : i32
      %add3A_71 = arith.constant 0 : i32
      %add3A_72 = arith.addi %add3A_71, %mul3A_70 : i32
      %mul3A_73 = arith.constant 16 : i32
      %mul3A_74 = arith.muli %add3A_72, %mul3A_73 : i32
      %swap3A_75 = arith.index_cast %mul3A_74 : i32 to index
      %swap3A_76 = tpu.vector_load %arg6[%swap3A_75] {strides = array<i32>} : memref<10240xf32, #tpu.memory_space<vmem>>, vector<16xf32>,
      tpu.vector_store %arg6[%swap3A_75], %broadcast_in_dim3A_1 {strides = array<i32>} : memref<10240xf32, #tpu.memory_space<vmem>>, vector<16xf32>,
      %scan3A_77 = arith.constant 6 : i32
      %scan3A_78 = arith.addi %scan3A_19, %scan3A_77 : i32
      %mul3A_79 = arith.constant 1 : i32
      %mul3A_80 = arith.muli %scan3A_78, %mul3A_79 : i32
      %add3A_81 = arith.constant 0 : i32
      %add3A_82 = arith.addi %add3A_81, %mul3A_80 : i32
      %mul3A_83 = arith.constant 16 : i32
      %mul3A_84 = arith.muli %add3A_82, %mul3A_83 : i32
      %swap3A_85 = arith.index_cast %mul3A_84 : i32 to index
      %swap3A_86 = tpu.vector_load %arg6[%swap3A_85] {strides = array<i32>} : memref<10240xf32, #tpu.memory_space<vmem>>, vector<16xf32>,
      tpu.vector_store %arg6[%swap3A_85], %broadcast_in_dim3A_1 {strides = array<i32>} : memref<10240xf32, #tpu.memory_space<vmem>>, vector<16xf32>,
      %scan3A_87 = arith.constant 7 : i32
      %scan3A_88 = arith.addi %scan3A_19, %scan3A_87 : i32
      %mul3A_89 = arith.constant 1 : i32
      %mul3A_90 = arith.muli %scan3A_88, %mul3A_89 : i32
      %add3A_91 = arith.constant 0 : i32
      %add3A_92 = arith.addi %add3A_91, %mul3A_90 : i32
      %mul3A_93 = arith.constant 16 : i32
      %mul3A_94 = arith.muli %add3A_92, %mul3A_93 : i32
      %swap3A_95 = arith.index_cast %mul3A_94 : i32 to index
      %swap3A_96 = tpu.vector_load %arg6[%swap3A_95] {strides = array<i32>} : memref<10240xf32, #tpu.memory_space<vmem>>, vector<16xf32>,
      tpu.vector_store %arg6[%swap3A_95], %broadcast_in_dim3A_1 {strides = array<i32>} : memref<10240xf32, #tpu.memory_space<vmem>>, vector<16xf32>,
    }
    %scan3A_5 = arith.constant 640 : i32
    %lt3A = arith.constant 31 : i32
    %lt3A_6 = arith.cmpi slt, %add3A, %lt3A : i32
    %convert_element_type3A = arith.extui %lt3A_6 : i1 to i32
    %cond3A = arith.constant 0 : i32
    %cond3A_7 = arith.cmpi ne, %convert_element_type3A, %cond3A : i32
    scf.if %cond3A_7 {
      %mul3A_19 = arith.constant 10240 : i32
      %mul3A_20 = arith.muli %add3A, %mul3A_19 : i32
      %run_scoped3A = arith.constant 1 : i32
      "tpu.region"() ({
        %run_scoped3A_21 = tpu.sem_alloc : memref<!tpu.dma_semaphore, #tpu.memory_space<semaphore_mem>>
        %dma_start3A = tpu.memref_slice %arg2[%run_scoped3A, %mul3A_20] : memref<2x320000xi32, #tpu.memory_space<hbm>> -> memref<1x10240xi32, #tpu.memory_space<hbm>>
        %dma_start3A_22 = tpu.memref_squeeze %dma_start3A : memref<1x10240xi32, #tpu.memory_space<hbm>> -> memref<10240xi32, #tpu.memory_space<hbm>>
        %dma_start3A_23 = tpu.memref_slice %arg2[%run_scoped3A, %mul3A_20] : memref<2x320000xi32, #tpu.memory_space<hbm>> -> memref<1x10240xi32, #tpu.memory_space<hbm>>
        %dma_start3A_24 = tpu.memref_squeeze %dma_start3A_23 : memref<1x10240xi32, #tpu.memory_space<hbm>> -> memref<10240xi32, #tpu.memory_space<hbm>>
        tpu.enqueue_dma source(%dma_start3A_24 : memref<10240xi32, #tpu.memory_space<hbm>>) target(%arg5 : memref<10240xi32, #tpu.memory_space<vmem>>) target_semaphore(%run_scoped3A_21 : memref<!tpu.dma_semaphore, #tpu.memory_space<semaphore_mem>>)
        %dma_wait3A = tpu.memref_slice %arg2[%run_scoped3A, %mul3A_20] : memref<2x320000xi32, #tpu.memory_space<hbm>> -> memref<1x10240xi32, #tpu.memory_space<hbm>>
        %dma_wait3A_25 = tpu.memref_squeeze %dma_wait3A : memref<1x10240xi32, #tpu.memory_space<hbm>> -> memref<10240xi32, #tpu.memory_space<hbm>>
        %dma_wait3A_26 = tpu.memref_slice %arg2[%run_scoped3A, %mul3A_20] : memref<2x320000xi32, #tpu.memory_space<hbm>> -> memref<1x10240xi32, #tpu.memory_space<hbm>>
        %dma_wait3A_27 = tpu.memref_squeeze %dma_wait3A_26 : memref<1x10240xi32, #tpu.memory_space<hbm>> -> memref<10240xi32, #tpu.memory_space<hbm>>
        tpu.wait_dma2 semaphore(%run_scoped3A_21 : memref<!tpu.dma_semaphore, #tpu.memory_space<semaphore_mem>>) src(%dma_wait3A_27 : memref<10240xi32, #tpu.memory_space<hbm>>) dst(%arg5 : memref<10240xi32, #tpu.memory_space<vmem>>)
        tpu.yield
      }) : () -> ()
    } else {
    }
    %eq3A = arith.constant 31 : i32
    %eq3A_8 = arith.cmpi eq, %add3A, %eq3A : i32
    %convert_element_type3A_9 = arith.extui %eq3A_8 : i1 to i32
    %cond3A_10 = arith.constant 0 : i32
    %cond3A_11 = arith.cmpi ne, %convert_element_type3A_9, %cond3A_10 : i32
    scf.if %cond3A_11 {
      %run_scoped3A = arith.constant 0 : i32
      "tpu.region"() ({
        %run_scoped3A_19 = tpu.sem_alloc : memref<!tpu.dma_semaphore, #tpu.memory_space<semaphore_mem>>
        %dma_start3A = arith.constant 0 : i32
        %dma_start3A_20 = tpu.memref_slice %arg3[%run_scoped3A, %dma_start3A] : memref<1x10240xi32, #tpu.memory_space<hbm>> -> memref<1x10240xi32, #tpu.memory_space<hbm>>
        %dma_start3A_21 = tpu.memref_squeeze %dma_start3A_20 : memref<1x10240xi32, #tpu.memory_space<hbm>> -> memref<10240xi32, #tpu.memory_space<hbm>>
        %dma_start3A_22 = arith.constant 0 : i32
        %dma_start3A_23 = tpu.memref_slice %arg3[%run_scoped3A, %dma_start3A_22] : memref<1x10240xi32, #tpu.memory_space<hbm>> -> memref<1x10240xi32, #tpu.memory_space<hbm>>
        %dma_start3A_24 = tpu.memref_squeeze %dma_start3A_23 : memref<1x10240xi32, #tpu.memory_space<hbm>> -> memref<10240xi32, #tpu.memory_space<hbm>>
        tpu.enqueue_dma source(%dma_start3A_24 : memref<10240xi32, #tpu.memory_space<hbm>>) target(%arg5 : memref<10240xi32, #tpu.memory_space<vmem>>) target_semaphore(%run_scoped3A_19 : memref<!tpu.dma_semaphore, #tpu.memory_space<semaphore_mem>>)
        %dma_wait3A = arith.constant 0 : i32
        %dma_wait3A_25 = tpu.memref_slice %arg3[%run_scoped3A, %dma_wait3A] : memref<1x10240xi32, #tpu.memory_space<hbm>> -> memref<1x10240xi32, #tpu.memory_space<hbm>>
        %dma_wait3A_26 = tpu.memref_squeeze %dma_wait3A_25 : memref<1x10240xi32, #tpu.memory_space<hbm>> -> memref<10240xi32, #tpu.memory_space<hbm>>
        %dma_wait3A_27 = arith.constant 0 : i32
        %dma_wait3A_28 = tpu.memref_slice %arg3[%run_scoped3A, %dma_wait3A_27] : memref<1x10240xi32, #tpu.memory_space<hbm>> -> memref<1x10240xi32, #tpu.memory_space<hbm>>
        %dma_wait3A_29 = tpu.memref_squeeze %dma_wait3A_28 : memref<1x10240xi32, #tpu.memory_space<hbm>> -> memref<10240xi32, #tpu.memory_space<hbm>>
        tpu.wait_dma2 semaphore(%run_scoped3A_19 : memref<!tpu.dma_semaphore, #tpu.memory_space<semaphore_mem>>) src(%dma_wait3A_29 : memref<10240xi32, #tpu.memory_space<hbm>>) dst(%arg5 : memref<10240xi32, #tpu.memory_space<vmem>>)
        tpu.yield
      }) : () -> ()
    } else {
    }
    %broadcast_in_dim3A_12 = arith.constant 1.000000e+00 : f32
    %broadcast_in_dim3A_13 = vector.broadcast %broadcast_in_dim3A_12 : f32 to vector<16xf32>
    %scan3A_14 = arith.constant 0 : i32
    %scan3A_15 = arith.constant 640 : i32
    %scan3A_16 = arith.addi %scan3A_14, %scan3A_15 : i32
    %scan3A_17 = arith.constant 8 : i32
    scf.for %scan3A_19 = %scan3A_14 to %scan3A_16 step %scan3A_17  : i32 {
      %mul3A_20 = arith.constant 1 : i32
      %mul3A_21 = arith.muli %scan3A_19, %mul3A_20 : i32
      %add3A_22 = arith.constant 0 : i32
      %add3A_23 = arith.addi %add3A_22, %mul3A_21 : i32
      %mul3A_24 = arith.constant 16 : i32
      %mul3A_25 = arith.muli %add3A_23, %mul3A_24 : i32
      %get3A = arith.index_cast %mul3A_25 : i32 to index
      %get3A_26 = tpu.vector_load %arg5[%get3A] {strides = array<i32>} : memref<10240xi32, #tpu.memory_space<vmem>>, vector<16xi32>,
      tpu.vector_store_idx %arg6[%get3A_26], %broadcast_in_dim3A_13 {add = true} : memref<10240xf32, #tpu.memory_space<vmem>>[vector<16xi32>], vector<16xf32>,
      %scan3A_27 = arith.constant 1 : i32
      %scan3A_28 = arith.addi %scan3A_19, %scan3A_27 : i32
      %mul3A_29 = arith.constant 1 : i32
      %mul3A_30 = arith.muli %scan3A_28, %mul3A_29 : i32
      %add3A_31 = arith.constant 0 : i32
      %add3A_32 = arith.addi %add3A_31, %mul3A_30 : i32
      %mul3A_33 = arith.constant 16 : i32
      %mul3A_34 = arith.muli %add3A_32, %mul3A_33 : i32
      %get3A_35 = arith.index_cast %mul3A_34 : i32 to index
      %get3A_36 = tpu.vector_load %arg5[%get3A_35] {strides = array<i32>} : memref<10240xi32, #tpu.memory_space<vmem>>, vector<16xi32>,
      tpu.vector_store_idx %arg6[%get3A_36], %broadcast_in_dim3A_13 {add = true} : memref<10240xf32, #tpu.memory_space<vmem>>[vector<16xi32>], vector<16xf32>,
      %scan3A_37 = arith.constant 2 : i32
      %scan3A_38 = arith.addi %scan3A_19, %scan3A_37 : i32
      %mul3A_39 = arith.constant 1 : i32
      %mul3A_40 = arith.muli %scan3A_38, %mul3A_39 : i32
      %add3A_41 = arith.constant 0 : i32
      %add3A_42 = arith.addi %add3A_41, %mul3A_40 : i32
      %mul3A_43 = arith.constant 16 : i32
      %mul3A_44 = arith.muli %add3A_42, %mul3A_43 : i32
      %get3A_45 = arith.index_cast %mul3A_44 : i32 to index
      %get3A_46 = tpu.vector_load %arg5[%get3A_45] {strides = array<i32>} : memref<10240xi32, #tpu.memory_space<vmem>>, vector<16xi32>,
      tpu.vector_store_idx %arg6[%get3A_46], %broadcast_in_dim3A_13 {add = true} : memref<10240xf32, #tpu.memory_space<vmem>>[vector<16xi32>], vector<16xf32>,
      %scan3A_47 = arith.constant 3 : i32
      %scan3A_48 = arith.addi %scan3A_19, %scan3A_47 : i32
      %mul3A_49 = arith.constant 1 : i32
      %mul3A_50 = arith.muli %scan3A_48, %mul3A_49 : i32
      %add3A_51 = arith.constant 0 : i32
      %add3A_52 = arith.addi %add3A_51, %mul3A_50 : i32
      %mul3A_53 = arith.constant 16 : i32
      %mul3A_54 = arith.muli %add3A_52, %mul3A_53 : i32
      %get3A_55 = arith.index_cast %mul3A_54 : i32 to index
      %get3A_56 = tpu.vector_load %arg5[%get3A_55] {strides = array<i32>} : memref<10240xi32, #tpu.memory_space<vmem>>, vector<16xi32>,
      tpu.vector_store_idx %arg6[%get3A_56], %broadcast_in_dim3A_13 {add = true} : memref<10240xf32, #tpu.memory_space<vmem>>[vector<16xi32>], vector<16xf32>,
      %scan3A_57 = arith.constant 4 : i32
      %scan3A_58 = arith.addi %scan3A_19, %scan3A_57 : i32
      %mul3A_59 = arith.constant 1 : i32
      %mul3A_60 = arith.muli %scan3A_58, %mul3A_59 : i32
      %add3A_61 = arith.constant 0 : i32
      %add3A_62 = arith.addi %add3A_61, %mul3A_60 : i32
      %mul3A_63 = arith.constant 16 : i32
      %mul3A_64 = arith.muli %add3A_62, %mul3A_63 : i32
      %get3A_65 = arith.index_cast %mul3A_64 : i32 to index
      %get3A_66 = tpu.vector_load %arg5[%get3A_65] {strides = array<i32>} : memref<10240xi32, #tpu.memory_space<vmem>>, vector<16xi32>,
      tpu.vector_store_idx %arg6[%get3A_66], %broadcast_in_dim3A_13 {add = true} : memref<10240xf32, #tpu.memory_space<vmem>>[vector<16xi32>], vector<16xf32>,
      %scan3A_67 = arith.constant 5 : i32
      %scan3A_68 = arith.addi %scan3A_19, %scan3A_67 : i32
      %mul3A_69 = arith.constant 1 : i32
      %mul3A_70 = arith.muli %scan3A_68, %mul3A_69 : i32
      %add3A_71 = arith.constant 0 : i32
      %add3A_72 = arith.addi %add3A_71, %mul3A_70 : i32
      %mul3A_73 = arith.constant 16 : i32
      %mul3A_74 = arith.muli %add3A_72, %mul3A_73 : i32
      %get3A_75 = arith.index_cast %mul3A_74 : i32 to index
      %get3A_76 = tpu.vector_load %arg5[%get3A_75] {strides = array<i32>} : memref<10240xi32, #tpu.memory_space<vmem>>, vector<16xi32>,
      tpu.vector_store_idx %arg6[%get3A_76], %broadcast_in_dim3A_13 {add = true} : memref<10240xf32, #tpu.memory_space<vmem>>[vector<16xi32>], vector<16xf32>,
      %scan3A_77 = arith.constant 6 : i32
      %scan3A_78 = arith.addi %scan3A_19, %scan3A_77 : i32
      %mul3A_79 = arith.constant 1 : i32
      %mul3A_80 = arith.muli %scan3A_78, %mul3A_79 : i32
      %add3A_81 = arith.constant 0 : i32
      %add3A_82 = arith.addi %add3A_81, %mul3A_80 : i32
      %mul3A_83 = arith.constant 16 : i32
      %mul3A_84 = arith.muli %add3A_82, %mul3A_83 : i32
      %get3A_85 = arith.index_cast %mul3A_84 : i32 to index
      %get3A_86 = tpu.vector_load %arg5[%get3A_85] {strides = array<i32>} : memref<10240xi32, #tpu.memory_space<vmem>>, vector<16xi32>,
      tpu.vector_store_idx %arg6[%get3A_86], %broadcast_in_dim3A_13 {add = true} : memref<10240xf32, #tpu.memory_space<vmem>>[vector<16xi32>], vector<16xf32>,
      %scan3A_87 = arith.constant 7 : i32
      %scan3A_88 = arith.addi %scan3A_19, %scan3A_87 : i32
      %mul3A_89 = arith.constant 1 : i32
      %mul3A_90 = arith.muli %scan3A_88, %mul3A_89 : i32
      %add3A_91 = arith.constant 0 : i32
      %add3A_92 = arith.addi %add3A_91, %mul3A_90 : i32
      %mul3A_93 = arith.constant 16 : i32
      %mul3A_94 = arith.muli %add3A_92, %mul3A_93 : i32
      %get3A_95 = arith.index_cast %mul3A_94 : i32 to index
      %get3A_96 = tpu.vector_load %arg5[%get3A_95] {strides = array<i32>} : memref<10240xi32, #tpu.memory_space<vmem>>, vector<16xi32>,
      tpu.vector_store_idx %arg6[%get3A_96], %broadcast_in_dim3A_13 {add = true} : memref<10240xf32, #tpu.memory_space<vmem>>[vector<16xi32>], vector<16xf32>,
    }
    %scan3A_18 = arith.constant 640 : i32
    "tpu.region"() ({
      %run_scoped3A = tpu.sem_alloc : memref<!tpu.dma_semaphore, #tpu.memory_space<semaphore_mem>>
      %dma_start3A = arith.constant 0 : i32
      %dma_start3A_19 = tpu.memref_slice %arg4[%add3A, %dma_start3A] : memref<32x10240xf32, #tpu.memory_space<hbm>> -> memref<1x10240xf32, #tpu.memory_space<hbm>>
      %dma_start3A_20 = tpu.memref_squeeze %dma_start3A_19 : memref<1x10240xf32, #tpu.memory_space<hbm>> -> memref<10240xf32, #tpu.memory_space<hbm>>
      %dma_start3A_21 = arith.constant 0 : i32
      %dma_start3A_22 = tpu.memref_slice %arg4[%add3A, %dma_start3A_21] : memref<32x10240xf32, #tpu.memory_space<hbm>> -> memref<1x10240xf32, #tpu.memory_space<hbm>>
      %dma_start3A_23 = tpu.memref_squeeze %dma_start3A_22 : memref<1x10240xf32, #tpu.memory_space<hbm>> -> memref<10240xf32, #tpu.memory_space<hbm>>
      tpu.enqueue_dma source(%arg6 : memref<10240xf32, #tpu.memory_space<vmem>>) target(%dma_start3A_23 : memref<10240xf32, #tpu.memory_space<hbm>>) target_semaphore(%run_scoped3A : memref<!tpu.dma_semaphore, #tpu.memory_space<semaphore_mem>>)
      %dma_wait3A = arith.constant 0 : i32
      %dma_wait3A_24 = tpu.memref_slice %arg4[%add3A, %dma_wait3A] : memref<32x10240xf32, #tpu.memory_space<hbm>> -> memref<1x10240xf32, #tpu.memory_space<hbm>>
      %dma_wait3A_25 = tpu.memref_squeeze %dma_wait3A_24 : memref<1x10240xf32, #tpu.memory_space<hbm>> -> memref<10240xf32, #tpu.memory_space<hbm>>
      %dma_wait3A_26 = arith.constant 0 : i32
      %dma_wait3A_27 = tpu.memref_slice %arg4[%add3A, %dma_wait3A_26] : memref<32x10240xf32, #tpu.memory_space<hbm>> -> memref<1x10240xf32, #tpu.memory_space<hbm>>
      %dma_wait3A_28 = tpu.memref_squeeze %dma_wait3A_27 : memref<1x10240xf32, #tpu.memory_space<hbm>> -> memref<10240xf32, #tpu.memory_space<hbm>>
      tpu.wait_dma2 semaphore(%run_scoped3A : memref<!tpu.dma_semaphore, #tpu.memory_space<semaphore_mem>>) src(%arg6 : memref<10240xf32, #tpu.memory_space<vmem>>) dst(%dma_wait3A_28 : memref<10240xf32, #tpu.memory_space<hbm>>)
      tpu.yield
    }) : () -> ()
    return
  }
}

module attributes {stable_mosaic.version = 14 : i64} {
  func.func @body(%arg0: i32, %arg1: memref<2x10000x128xf32, #tpu.memory_space<vmem>>, %arg2: memref<10000x128xf32, #tpu.memory_space<vmem>>, %arg3: memref<10000x1xf32, #tpu.memory_space<vmem>>, %arg4: memref<1x128xf32, #tpu.memory_space<vmem>>, %arg5: memref<128x128xf32, #tpu.memory_space<vmem>>, %arg6: memref<1x128xf32, #tpu.memory_space<vmem>>, %arg7: memref<128x1xf32, #tpu.memory_space<vmem>>, %arg8: memref<1x1xf32, #tpu.memory_space<vmem>>, %arg9: memref<10000x1xf32, #tpu.memory_space<vmem>>) attributes {dimension_semantics = [#tpu.dimension_semantics<arbitrary>], iteration_bounds = array<i64: 1>, scalar_prefetch = 0 : i64, scratch_operands = 0 : i64, tpu.core_type = #tpu.core_type<tc>, window_params = [{transform_indices = @transform_0, window_bounds = array<i64: 2, 10000, 128>}, {pipeline_mode = #tpu.pipeline_mode<synchronous>, transform_indices = @transform_1, window_bounds = array<i64: 10000, 128>}, {pipeline_mode = #tpu.pipeline_mode<synchronous>, transform_indices = @transform_2, window_bounds = array<i64: 10000, 1>}, {pipeline_mode = #tpu.pipeline_mode<synchronous>, transform_indices = @transform_3, window_bounds = array<i64: 1, 128>}, {pipeline_mode = #tpu.pipeline_mode<synchronous>, transform_indices = @transform_4, window_bounds = array<i64: 128, 128>}, {pipeline_mode = #tpu.pipeline_mode<synchronous>, transform_indices = @transform_5, window_bounds = array<i64: 1, 128>}, {pipeline_mode = #tpu.pipeline_mode<synchronous>, transform_indices = @transform_6, window_bounds = array<i64: 128, 1>}, {pipeline_mode = #tpu.pipeline_mode<synchronous>, transform_indices = @transform_7, window_bounds = array<i64: 1, 1>}, {pipeline_mode = #tpu.pipeline_mode<synchronous>, transform_indices = @transform_8, window_bounds = array<i64: 10000, 1>}]} {
    %get3A = arith.constant 0 : index
    %get3A_0 = arith.constant 0 : index
    %get3A_1 = arith.constant 0 : index
    %get3A_2 = vector.load %arg1[%get3A, %get3A_0, %get3A_1] : memref<2x10000x128xf32, #tpu.memory_space<vmem>>, vector<1x10000x128xf32>
    %get3A_3 = vector.shape_cast %get3A_2 : vector<1x10000x128xf32> to vector<10000x128xf32>
    %get3A_4 = arith.constant 1 : index
    %get3A_5 = arith.constant 0 : index
    %get3A_6 = arith.constant 0 : index
    %get3A_7 = vector.load %arg1[%get3A_4, %get3A_5, %get3A_6] : memref<2x10000x128xf32, #tpu.memory_space<vmem>>, vector<1x10000x128xf32>
    %get3A_8 = vector.shape_cast %get3A_7 : vector<1x10000x128xf32> to vector<10000x128xf32>
    %add3A = arith.addf %get3A_3, %get3A_8 : vector<10000x128xf32>
    %get3A_9 = arith.constant 0 : index
    %get3A_10 = arith.constant 0 : index
    %get3A_11 = vector.load %arg2[%get3A_9, %get3A_10] : memref<10000x128xf32, #tpu.memory_space<vmem>>, vector<10000x128xf32>
    %add3A_12 = arith.addf %add3A, %get3A_11 : vector<10000x128xf32>
    %get3A_13 = arith.constant 0 : index
    %get3A_14 = arith.constant 0 : index
    %get3A_15 = vector.load %arg3[%get3A_13, %get3A_14] : memref<10000x1xf32, #tpu.memory_space<vmem>>, vector<10000x1xf32>
    %mul3A = vector.broadcast %get3A_15 : vector<10000x1xf32> to vector<10000x128xf32>
    %mul3A_16 = arith.mulf %add3A_12, %mul3A : vector<10000x128xf32>
    %get3A_17 = arith.constant 0 : index
    %get3A_18 = arith.constant 0 : index
    %get3A_19 = vector.load %arg4[%get3A_17, %get3A_18] : memref<1x128xf32, #tpu.memory_space<vmem>>, vector<1x128xf32>
    %add3A_20 = vector.broadcast %get3A_19 : vector<1x128xf32> to vector<10000x128xf32>
    %add3A_21 = arith.addf %mul3A_16, %add3A_20 : vector<10000x128xf32>
    %max3A = arith.constant 0.000000e+00 : f32
    %max3A_22 = vector.broadcast %max3A : f32 to vector<10000x128xf32>
    %max3A_23 = arith.maximumf %add3A_21, %max3A_22 : vector<10000x128xf32>
    %get3A_24 = arith.constant 0 : index
    %get3A_25 = arith.constant 0 : index
    %get3A_26 = vector.load %arg5[%get3A_24, %get3A_25] : memref<128x128xf32, #tpu.memory_space<vmem>>, vector<128x128xf32>
    %dot_general3A = arith.constant dense<0.000000e+00> : vector<10000x128xf32>
    %dot_general3A_27 = tpu.matmul %max3A_23, %get3A_26, %dot_general3A {dimension_numbers = #tpu.dot_dimension_numbers<[1], [0], [0], [1], [0, 0, 1, 1], [], []>, transpose_lhs_hint = false} : vector<10000x128xf32>, vector<128x128xf32>, vector<10000x128xf32> -> vector<10000x128xf32>
    %get3A_28 = arith.constant 0 : index
    %get3A_29 = arith.constant 0 : index
    %get3A_30 = vector.load %arg6[%get3A_28, %get3A_29] : memref<1x128xf32, #tpu.memory_space<vmem>>, vector<1x128xf32>
    %add3A_31 = vector.broadcast %get3A_30 : vector<1x128xf32> to vector<10000x128xf32>
    %add3A_32 = arith.addf %dot_general3A_27, %add3A_31 : vector<10000x128xf32>
    %max3A_33 = arith.constant 0.000000e+00 : f32
    %max3A_34 = vector.broadcast %max3A_33 : f32 to vector<10000x128xf32>
    %max3A_35 = arith.maximumf %add3A_32, %max3A_34 : vector<10000x128xf32>
    %get3A_36 = arith.constant 0 : index
    %get3A_37 = arith.constant 0 : index
    %get3A_38 = vector.load %arg7[%get3A_36, %get3A_37] : memref<128x1xf32, #tpu.memory_space<vmem>>, vector<128x1xf32>
    %dot_general3A_39 = arith.constant dense<0.000000e+00> : vector<10000x1xf32>
    %dot_general3A_40 = tpu.matmul %max3A_35, %get3A_38, %dot_general3A_39 {dimension_numbers = #tpu.dot_dimension_numbers<[1], [0], [0], [1], [0, 0, 1, 1], [], []>, transpose_lhs_hint = false} : vector<10000x128xf32>, vector<128x1xf32>, vector<10000x1xf32> -> vector<10000x1xf32>
    %get3A_41 = arith.constant 0 : index
    %get3A_42 = arith.constant 0 : index
    %get3A_43 = vector.load %arg8[%get3A_41, %get3A_42] : memref<1x1xf32, #tpu.memory_space<vmem>>, vector<1x1xf32>
    %add3A_44 = vector.broadcast %get3A_43 : vector<1x1xf32> to vector<10000x1xf32>
    %add3A_45 = arith.addf %dot_general3A_40, %add3A_44 : vector<10000x1xf32>
    %max3A_46 = arith.constant 0.000000e+00 : f32
    %max3A_47 = vector.broadcast %max3A_46 : f32 to vector<10000x1xf32>
    %max3A_48 = arith.maximumf %add3A_45, %max3A_47 : vector<10000x1xf32>
    %logistic3A = arith.negf %max3A_48 : vector<10000x1xf32>
    %logistic3A_49 = math.exp %logistic3A : vector<10000x1xf32>
    %logistic3A_50 = arith.constant 1.000000e+00 : f32
    %logistic3A_51 = vector.broadcast %logistic3A_50 : f32 to vector<10000x1xf32>
    %logistic3A_52 = arith.addf %logistic3A_51, %logistic3A_49 : vector<10000x1xf32>
    %logistic3A_53 = arith.divf %logistic3A_51, %logistic3A_52 : vector<10000x1xf32>
    %swap3A = arith.constant 0 : index
    %swap3A_54 = arith.constant 0 : index
    %swap3A_55 = vector.load %arg9[%swap3A, %swap3A_54] : memref<10000x1xf32, #tpu.memory_space<vmem>>, vector<10000x1xf32>
    tpu.vector_store %arg9[%swap3A, %swap3A_54], %logistic3A_53 {strides = array<i32>} : memref<10000x1xf32, #tpu.memory_space<vmem>>, vector<10000x1xf32>,
    return
  }
  func.func @transform_0(%arg0: i32) -> (i32, i32, i32) {
    %c0_i32 = arith.constant 0 : i32
    %c0_i32_0 = arith.constant 0 : i32
    %c0_i32_1 = arith.constant 0 : i32
    %c0_i32_2 = arith.constant 0 : i32
    return %c0_i32, %c0_i32_0, %c0_i32_1 : i32, i32, i32
  }
  func.func @transform_1(%arg0: i32) -> (i32, i32) {
    %c0_i32 = arith.constant 0 : i32
    %c0_i32_0 = arith.constant 0 : i32
    %c0_i32_1 = arith.constant 0 : i32
    return %c0_i32, %c0_i32_0 : i32, i32
  }
  func.func @transform_2(%arg0: i32) -> (i32, i32) {
    %c0_i32 = arith.constant 0 : i32
    %c0_i32_0 = arith.constant 0 : i32
    %c0_i32_1 = arith.constant 0 : i32
    return %c0_i32, %c0_i32_0 : i32, i32
  }
  func.func @transform_3(%arg0: i32) -> (i32, i32) {
    %c0_i32 = arith.constant 0 : i32
    %c0_i32_0 = arith.constant 0 : i32
    %c0_i32_1 = arith.constant 0 : i32
    return %c0_i32, %c0_i32_0 : i32, i32
  }
  func.func @transform_4(%arg0: i32) -> (i32, i32) {
    %c0_i32 = arith.constant 0 : i32
    %c0_i32_0 = arith.constant 0 : i32
    %c0_i32_1 = arith.constant 0 : i32
    return %c0_i32, %c0_i32_0 : i32, i32
  }
  func.func @transform_5(%arg0: i32) -> (i32, i32) {
    %c0_i32 = arith.constant 0 : i32
    %c0_i32_0 = arith.constant 0 : i32
    %c0_i32_1 = arith.constant 0 : i32
    return %c0_i32, %c0_i32_0 : i32, i32
  }
  func.func @transform_6(%arg0: i32) -> (i32, i32) {
    %c0_i32 = arith.constant 0 : i32
    %c0_i32_0 = arith.constant 0 : i32
    %c0_i32_1 = arith.constant 0 : i32
    return %c0_i32, %c0_i32_0 : i32, i32
  }
  func.func @transform_7(%arg0: i32) -> (i32, i32) {
    %c0_i32 = arith.constant 0 : i32
    %c0_i32_0 = arith.constant 0 : i32
    %c0_i32_1 = arith.constant 0 : i32
    return %c0_i32, %c0_i32_0 : i32, i32
  }
  func.func @transform_8(%arg0: i32) -> (i32, i32) {
    %c0_i32 = arith.constant 0 : i32
    %c0_i32_0 = arith.constant 0 : i32
    %c0_i32_1 = arith.constant 0 : i32
    return %c0_i32, %c0_i32_0 : i32, i32
  }
}

module attributes {stable_mosaic.version = 14 : i64} {
  func.func @body(%arg0: i32, %arg1: memref<2x10240xi32, #tpu.memory_space<vmem>>, %arg2: memref<1x10240xi32, #tpu.memory_space<vmem>>, %arg3: memref<1x10240xi32, #tpu.memory_space<vmem>>) attributes {dimension_semantics = [#tpu.dimension_semantics<arbitrary>], iteration_bounds = array<i64: 1>, scalar_prefetch = 0 : i64, scratch_operands = 0 : i64, tpu.core_type = #tpu.core_type<tc>, window_params = [{transform_indices = @transform_0, window_bounds = array<i64: 2, 10240>}, {pipeline_mode = #tpu.pipeline_mode<synchronous>, transform_indices = @transform_1, window_bounds = array<i64: 1, 10240>}, {pipeline_mode = #tpu.pipeline_mode<synchronous>, transform_indices = @transform_2, window_bounds = array<i64: 1, 10240>}]} {
    %get3A = arith.constant 0 : index
    %get3A_0 = arith.constant 0 : index
    %get3A_1 = vector.load %arg1[%get3A, %get3A_0] : memref<2x10240xi32, #tpu.memory_space<vmem>>, vector<2x10240xi32>
    %iota3A = tpu.iota {dimensions = array<i32: 1>} : vector<1x10240xi32>
    %add3A = arith.constant 317440 : i32
    %add3A_2 = vector.broadcast %add3A : i32 to vector<1x10240xi32>
    %add3A_3 = arith.addi %add3A_2, %iota3A : vector<1x10240xi32>
    %lt3A = arith.constant 320000 : i32
    %lt3A_4 = vector.broadcast %lt3A : i32 to vector<1x10240xi32>
    %lt3A_5 = arith.cmpi slt, %add3A_3, %lt3A_4 : vector<1x10240xi32>
    %slice3A = vector.extract_strided_slice %get3A_1 {offsets = [0, 0], sizes = [1, 10240], strides = [1, 1]} : vector<2x10240xi32> to vector<1x10240xi32>
    %and3A = arith.constant 8191 : i32
    %and3A_6 = vector.broadcast %and3A : i32 to vector<1x10240xi32>
    %and3A_7 = arith.andi %add3A_3, %and3A_6 : vector<1x10240xi32>
    %select_n3A = arith.select %lt3A_5, %slice3A, %and3A_7 : vector<1x10240xi1>, vector<1x10240xi32>
    %swap3A = arith.constant 0 : index
    %swap3A_8 = arith.constant 0 : index
    %swap3A_9 = vector.load %arg2[%swap3A, %swap3A_8] : memref<1x10240xi32, #tpu.memory_space<vmem>>, vector<1x10240xi32>
    tpu.vector_store %arg2[%swap3A, %swap3A_8], %select_n3A {strides = array<i32>} : memref<1x10240xi32, #tpu.memory_space<vmem>>, vector<1x10240xi32>,
    %slice3A_10 = vector.extract_strided_slice %get3A_1 {offsets = [1, 0], sizes = [1, 10240], strides = [1, 1]} : vector<2x10240xi32> to vector<1x10240xi32>
    %and3A_11 = arith.constant 127 : i32
    %and3A_12 = vector.broadcast %and3A_11 : i32 to vector<1x10240xi32>
    %and3A_13 = arith.andi %add3A_3, %and3A_12 : vector<1x10240xi32>
    %add3A_14 = arith.constant 10000 : i32
    %add3A_15 = vector.broadcast %add3A_14 : i32 to vector<1x10240xi32>
    %add3A_16 = arith.addi %add3A_15, %and3A_13 : vector<1x10240xi32>
    %select_n3A_17 = arith.select %lt3A_5, %slice3A_10, %add3A_16 : vector<1x10240xi1>, vector<1x10240xi32>
    %swap3A_18 = arith.constant 0 : index
    %swap3A_19 = arith.constant 0 : index
    %swap3A_20 = vector.load %arg3[%swap3A_18, %swap3A_19] : memref<1x10240xi32, #tpu.memory_space<vmem>>, vector<1x10240xi32>
    tpu.vector_store %arg3[%swap3A_18, %swap3A_19], %select_n3A_17 {strides = array<i32>} : memref<1x10240xi32, #tpu.memory_space<vmem>>, vector<1x10240xi32>,
    return
  }
  func.func @transform_0(%arg0: i32) -> (i32, i32) {
    %c0_i32 = arith.constant 0 : i32
    %c31_i32 = arith.constant 31 : i32
    %c0_i32_0 = arith.constant 0 : i32
    return %c0_i32, %c31_i32 : i32, i32
  }
  func.func @transform_1(%arg0: i32) -> (i32, i32) {
    %c0_i32 = arith.constant 0 : i32
    %c0_i32_0 = arith.constant 0 : i32
    %c0_i32_1 = arith.constant 0 : i32
    return %c0_i32, %c0_i32_0 : i32, i32
  }
  func.func @transform_2(%arg0: i32) -> (i32, i32) {
    %c0_i32 = arith.constant 0 : i32
    %c0_i32_0 = arith.constant 0 : i32
    %c0_i32_1 = arith.constant 0 : i32
    return %c0_i32, %c0_i32_0 : i32, i32
  }
}

module attributes {stable_mosaic.version = 14 : i64} {
  func.func @body(%arg0: i32, %arg1: memref<10000x128xf32, #tpu.memory_space<vmem>>, %arg2: memref<128x128xf32, #tpu.memory_space<vmem>>, %arg3: memref<32x10240xf32, #tpu.memory_space<vmem>>, %arg4: memref<10000x128xf32, #tpu.memory_space<vmem>>, %arg5: memref<10000x1xf32, #tpu.memory_space<vmem>>) attributes {dimension_semantics = [#tpu.dimension_semantics<arbitrary>], iteration_bounds = array<i64: 1>, scalar_prefetch = 0 : i64, scratch_operands = 0 : i64, tpu.core_type = #tpu.core_type<tc>, window_params = [{pipeline_mode = #tpu.pipeline_mode<synchronous>, transform_indices = @transform_0, window_bounds = array<i64: 10000, 128>}, {pipeline_mode = #tpu.pipeline_mode<synchronous>, transform_indices = @transform_1, window_bounds = array<i64: 128, 128>}, {pipeline_mode = #tpu.pipeline_mode<synchronous>, transform_indices = @transform_2, window_bounds = array<i64: 32, 10240>}, {pipeline_mode = #tpu.pipeline_mode<synchronous>, transform_indices = @transform_3, window_bounds = array<i64: 10000, 128>}, {pipeline_mode = #tpu.pipeline_mode<synchronous>, transform_indices = @transform_4, window_bounds = array<i64: 10000, 1>}]} {
    %get3A = arith.constant 0 : index
    %get3A_0 = arith.constant 0 : index
    %get3A_1 = vector.load %arg3[%get3A, %get3A_0] : memref<32x10240xf32, #tpu.memory_space<vmem>>, vector<32x10240xf32>
    %reduce_sum3A = arith.constant dense<0.000000e+00> : vector<10240xf32>
    %reduce_sum3A_2 = vector.multi_reduction <add>, %get3A_1, %reduce_sum3A [0] : vector<32x10240xf32> to vector<10240xf32>
    %slice3A = vector.extract_strided_slice %reduce_sum3A_2 {offsets = [0], sizes = [10000], strides = [1]} : vector<10240xf32> to vector<10000xf32>
    %add3A = arith.constant 1.000000e+00 : f32
    %add3A_3 = vector.broadcast %add3A : f32 to vector<10000xf32>
    %add3A_4 = arith.addf %slice3A, %add3A_3 : vector<10000xf32>
    %rsqrt3A = math.rsqrt %add3A_4 : vector<10000xf32>
    %get3A_5 = arith.constant 0 : index
    %get3A_6 = arith.constant 0 : index
    %get3A_7 = vector.load %arg1[%get3A_5, %get3A_6] : memref<10000x128xf32, #tpu.memory_space<vmem>>, vector<10000x128xf32>
    %get3A_8 = arith.constant 0 : index
    %get3A_9 = arith.constant 0 : index
    %get3A_10 = vector.load %arg2[%get3A_8, %get3A_9] : memref<128x128xf32, #tpu.memory_space<vmem>>, vector<128x128xf32>
    %dot_general3A = arith.constant dense<0.000000e+00> : vector<10000x128xf32>
    %dot_general3A_11 = tpu.matmul %get3A_7, %get3A_10, %dot_general3A {dimension_numbers = #tpu.dot_dimension_numbers<[1], [0], [0], [1], [0, 0, 1, 1], [], []>, transpose_lhs_hint = false} : vector<10000x128xf32>, vector<128x128xf32>, vector<10000x128xf32> -> vector<10000x128xf32>
    %broadcast_in_dim3A = vector.shape_cast %rsqrt3A : vector<10000xf32> to vector<10000x1xf32>
    %mul3A = vector.broadcast %broadcast_in_dim3A : vector<10000x1xf32> to vector<10000x128xf32>
    %mul3A_12 = arith.mulf %dot_general3A_11, %mul3A : vector<10000x128xf32>
    %swap3A = arith.constant 0 : index
    %swap3A_13 = arith.constant 0 : index
    %swap3A_14 = vector.load %arg4[%swap3A, %swap3A_13] : memref<10000x128xf32, #tpu.memory_space<vmem>>, vector<10000x128xf32>
    tpu.vector_store %arg4[%swap3A, %swap3A_13], %mul3A_12 {strides = array<i32>} : memref<10000x128xf32, #tpu.memory_space<vmem>>, vector<10000x128xf32>,
    %broadcast_in_dim3A_15 = vector.shape_cast %rsqrt3A : vector<10000xf32> to vector<10000x1xf32>
    %swap3A_16 = arith.constant 0 : index
    %swap3A_17 = arith.constant 0 : index
    %swap3A_18 = vector.load %arg5[%swap3A_16, %swap3A_17] : memref<10000x1xf32, #tpu.memory_space<vmem>>, vector<10000x1xf32>
    tpu.vector_store %arg5[%swap3A_16, %swap3A_17], %broadcast_in_dim3A_15 {strides = array<i32>} : memref<10000x1xf32, #tpu.memory_space<vmem>>, vector<10000x1xf32>,
    return
  }
  func.func @transform_0(%arg0: i32) -> (i32, i32) {
    %c0_i32 = arith.constant 0 : i32
    %c0_i32_0 = arith.constant 0 : i32
    %c0_i32_1 = arith.constant 0 : i32
    return %c0_i32, %c0_i32_0 : i32, i32
  }
  func.func @transform_1(%arg0: i32) -> (i32, i32) {
    %c0_i32 = arith.constant 0 : i32
    %c0_i32_0 = arith.constant 0 : i32
    %c0_i32_1 = arith.constant 0 : i32
    return %c0_i32, %c0_i32_0 : i32, i32
  }
  func.func @transform_2(%arg0: i32) -> (i32, i32) {
    %c0_i32 = arith.constant 0 : i32
    %c0_i32_0 = arith.constant 0 : i32
    %c0_i32_1 = arith.constant 0 : i32
    return %c0_i32, %c0_i32_0 : i32, i32
  }
  func.func @transform_3(%arg0: i32) -> (i32, i32) {
    %c0_i32 = arith.constant 0 : i32
    %c0_i32_0 = arith.constant 0 : i32
    %c0_i32_1 = arith.constant 0 : i32
    return %c0_i32, %c0_i32_0 : i32, i32
  }
  func.func @transform_4(%arg0: i32) -> (i32, i32) {
    %c0_i32 = arith.constant 0 : i32
    %c0_i32_0 = arith.constant 0 : i32
    %c0_i32_1 = arith.constant 0 : i32
    return %c0_i32, %c0_i32_0 : i32, i32
  }
}

</mosaic_0001>

<sc_bundles>
// kernel: kernel.10.cloned.1.call-start
scs
__scs_entry_jumppad:
0x0: {  	(pc) =	sbr.rel $0x88, $3  }
0x1: {  	(tag) =	ssettag $0x0;
	lr =	simm.s32 $0x1  }
0x2: {  	[smem:$0x3F99] =	sst lr;
	_ =	strace $0xD0000000  }
0x3: {  	_ = 	snop  }
0x4: {  	_ = 	snop  }
0x5: {  	_ = 	snop  }
0x6: {  	_ = 	snop  }
0x7: {  	_ = 	snop  }
__scs_overlays_trampoline_lowered:
0x8: {  	[smem:$0x3FA8] =	sst s0  }
0x9: {  	[smem:$0x3FA9] =	sst s1  }
0xa: {  	[smem:$0x3FAA] =	sst s2  }
0xb: {  	[smem:$0x3FAB] =	sst s3  }
0xc: {  	[smem:$0x3FAC] =	sst s4  }
0xd: {  	[smem:$0x3FAD] =	sst s5  }
0xe: {  	[smem:$0x3FAE] =	sst s6  }
0xf: {  	[smem:$0x3FAF] =	sst s7  }
0x10: {  	[smem:$0x3FB0] =	sst s8  }
0x11: {  	[smem:$0x3FB1] =	sst s9;
	s0 =	simm.s32 @!p0 $0x0  }
0x12: {  	s1 =	sld [smem:$0x3F97];
	s0 =	simm.s32 @p0 $0x1  }
0x13: {  	[smem:$0x3FB2] =	sst s0;
	s0 =	simm.s32 @!p1 $0x0  }
0x14: {  	s2 =	sld [smem:$0x3F96];
	s0 =	simm.s32 @p1 $0x1  }
0x15: {  	[smem:$0x3FB3] =	sst s0;
	s0 =	simm.s32 @!p2 $0x0  }
0x16: {  	s3 =	sld [smem:$0x3FDB];
	s0 =	simm.s32 @p2 $0x1  }
0x17: {  	s4 =	simm.s32 $0x1BF5;
	[smem:$0x3FB5] =	sst s0  }
0x18: {  	s0 =	sld [smem:$0x3F98];
	_ =	swait.ge [sflag:s4], $0x0  }
0x19: {  	s7 =	sld [smem:$0x3F99]  }
0x1a: {  	s8 =	sadd.s32 $0xFFFFE003, lr  }
0x1b: {  	s9 =	sadd.s32 $0xFFFFFEF7, lr;
	s5 =	simm.s32 $0xFFFFFFFF;
	p2 =	slt.u32 s8, $0xFFFFF086  }
0x1c: {  	p1 =	slt.u32 s9, $0xF7A;
	s5 =	simm.s32 @!p2 $0x0  }
0x1d: {  	s5 =	simm.s32 @p1 $0x1;
	p0 =	seq.s32 s7, s2  }
0x1e: {  	s7 =	smul.u32 @!p0 $0xF7A, s2;
	p2 =	seq.s32 @!p0 s5, $0x0  }
0x1f: {  	s9 =	smul.u32 $0xF7A, s1;
	s8 =	simm.s32 @!p0 $0x1BF5;
	p2 =	por !p2, p0  }
0x20: {  	[sflag:s8] =	ssyncset.s32 @!p0 $0xFFFFF086;
	s6 =	sadd.s32 @!p0 s3, s7;
	s7 =	simm.s32 @!p0 $0x108  }
0x21: {  	s3 =	sadd.s32 s3, s9;
	s6 =	sadd.s32 @!p0 $0x88, s6;
	s7 =	simm.s32 @p2 $0x1082  }
0x22: {  	[simem:s7], [sflag:s8] =	dma.local @!p0 [hbm:s6], $0xF7A  }
0x23: {  	s9 =	sor.u32 $0xD0000000, s2;
	s6 =	simm.s32 $0x108;
	_ =	swait.ge @!p0 [sflag:s8], $0x0  }
0x24: {  	s3 =	sadd.s32 $0x88, s3;
	s6 =	simm.s32 @!p1 $0x1082;
	[sflag:s4] =	ssyncset.s32 $0xFFFFF086  }
0x25: {  	[simem:s6], [sflag:s4] =	dma.local [hbm:s3], $0xF7A  }
0x26: {  	[smem:$0x3F99] =	sst s1;
	(tag) =	ssettag s2;
	_ =	strace s9  }
0x27: {  	s1 =	sld [smem:$0x3FA9]  }
0x28: {  	s2 =	sld [smem:$0x3FAA]  }
0x29: {  	s4 =	sld [smem:$0x3FAC]  }
0x2a: {  	p0 =	seq.s32 s5, $0x0;
	s5 =	sld [smem:$0x3FAD]  }
0x2b: {  	s6 =	sld [smem:$0x3FAE]  }
0x2c: {  	s7 =	sld [smem:$0x3FAF]  }
0x2d: {  	s3 =	simm.s32 $0x108;
	s8 =	sld [smem:$0x3FB0]  }
0x2e: {  	s3 =	simm.s32 @!p0 $0x1082;
	s9 =	sld [smem:$0x3FB1]  }
0x2f: {  	lr =	sadd.s32 s0, s3;
	s0 =	sld [smem:$0x3FA8]  }
0x30: {  	s3 =	sld [smem:$0x3FAB]  }
0x31: {  	[smem:$0x3FB4] =	sst s10  }
0x32: {  	s10 =	sld [smem:$0x3FB2];
	_ =	sdelay $0x3  }
0x33: {  	p0 =	seq.s32 s10, $0x1;
	s10 =	sld [smem:$0x3FB4];
	_ =	sdelay $0x3  }
0x34: {  	[smem:$0x3FB4] =	sst s10  }
0x35: {  	s10 =	sld [smem:$0x3FB3];
	_ =	sdelay $0x3  }
0x36: {  	p1 =	seq.s32 s10, $0x1;
	s10 =	sld [smem:$0x3FB4];
	_ =	sdelay $0x3  }
0x37: {  	[smem:$0x3FB4] =	sst s10  }
0x38: {  	s10 =	sld [smem:$0x3FB5]  }
0x39: {  	_ = 	snop;
	(pc) =	sbr.ind lr, $3  }
0x3a: {  	_ = 	snop  }
0x3b: {  	_ = 	snop  }
0x3c: {  	p2 =	seq.s32 s10, $0x1;
	s10 =	sld [smem:$0x3FB4]  }
0x3d: {  	_ =	shalt  }
0x3e: {  	_ =	shalt  }
0x3f: {  	_ =	shalt  }
0x40: {  	_ =	shalt  }
0x41: {  	_ =	shalt  }
0x42: {  	_ =	shalt  }
0x43: {  	_ =	shalt  }
0x44: {  	_ =	shalt  }
0x45: {  	_ =	shalt  }
0x46: {  	_ =	shalt  }
0x47: {  	_ =	shalt  }
0x48: {  	_ =	shalt  }
0x49: {  	_ =	shalt  }
0x4a: {  	_ =	shalt  }
0x4b: {  	_ =	shalt  }
0x4c: {  	_ =	shalt  }
0x4d: {  	_ =	shalt  }
0x4e: {  	_ =	shalt  }
0x4f: {  	_ =	shalt  }
0x50: {  	_ =	shalt  }
0x51: {  	_ =	shalt  }
0x52: {  	_ =	shalt  }
0x53: {  	_ =	shalt  }
0x54: {  	_ =	shalt  }
0x55: {  	_ =	shalt  }
0x56: {  	_ =	shalt  }
0x57: {  	_ =	shalt  }
0x58: {  	_ =	shalt  }
0x59: {  	_ =	shalt  }
0x5a: {  	_ =	shalt  }
0x5b: {  	_ =	shalt  }
0x5c: {  	_ =	shalt  }
0x5d: {  	_ =	shalt  }
0x5e: {  	_ =	shalt  }
0x5f: {  	_ =	shalt  }
0x60: {  	_ =	shalt  }
0x61: {  	_ =	shalt  }
0x62: {  	_ =	shalt  }
0x63: {  	_ =	shalt  }
0x64: {  	_ =	shalt  }
0x65: {  	_ =	shalt  }
0x66: {  	_ =	shalt  }
0x67: {  	_ =	shalt  }
0x68: {  	_ =	shalt  }
0x69: {  	_ =	shalt  }
0x6a: {  	_ =	shalt  }
0x6b: {  	_ =	shalt  }
0x6c: {  	_ =	shalt  }
0x6d: {  	_ =	shalt  }
0x6e: {  	_ =	shalt  }
0x6f: {  	_ =	shalt  }
0x70: {  	_ =	shalt  }
0x71: {  	_ =	shalt  }
0x72: {  	_ =	shalt  }
0x73: {  	_ =	shalt  }
0x74: {  	_ =	shalt  }
0x75: {  	_ =	shalt  }
0x76: {  	_ =	shalt  }
0x77: {  	_ =	shalt  }
0x78: {  	_ =	shalt  }
0x79: {  	_ =	shalt  }
0x7a: {  	_ =	shalt  }
0x7b: {  	_ =	shalt  }
0x7c: {  	_ =	shalt  }
0x7d: {  	_ =	shalt  }
0x7e: {  	_ =	shalt  }
0x7f: {  	_ =	shalt  }
0x80: {  	_ =	shalt  }
0x81: {  	_ =	shalt  }
0x82: {  	_ =	shalt  }
0x83: {  	_ =	shalt  }
0x84: {  	_ =	shalt  }
0x85: {  	_ =	shalt  }
0x86: {  	_ =	shalt  }
0x87: {  	_ =	shalt  }
.Lfunc_end0:
.L_simem_size_0:
called_computation.1_lowered:
.L_overlay_start_0:
0x88: {  	s2 =	sld [smem:$0x3FD9]  }
0x89: {  	s3 =	sld [smem:$0x3FFE];
	_ =	sdelay $0x1  }
0x8a: {  	s1 =	srdreg.scid  }
0x8b: {  	s0 =	sand.u32 $0x1, s1  }
0x8c: {  	s17 =	sshll.u32 s0, $0xA;
	s2 =	sadd.s32 s3, s2  }
0x8d: {  	s2 =	sadd.s32 s2, s17  }
0x8e: {  	[smem:$0x3FC0] =	sst s2  }
0x8f: {  	_ = 	snop  }
0x90: {  	s2 =	sld [smem:$0x3FC8];
	(tm) =	ssettm $0x1  }
0x91: {  	s18 =	sld [smem:$0x3FFB];
	_ =	sdelay $0x3  }
0x92: {  	_ =	strace s18  }
0x93: {  	s3 =	sld [smem:$0x3FFC];
	_ =	sdelay $0x3  }
0x94: {  	_ =	strace s3  }
0x95: {  	s3 =	sld [smem:$0x3FFD];
	_ =	sdelay $0x3  }
0x96: {  	_ =	strace s3  }
0x97: {  	_ =	strace $0x8FFFFFFF  }
0x98: {  	s19 =	sld [smem:$0x3FDB];
	_ =	sdelay $0x1  }
0x99: {  	s4 =	simm.s32 $_scs_section_size  }
0x9a: {  	s5 =	simm.s32 $_size__tile_overlayer_lowered;
	s6 =	simm.s32 $_tile_overlayer_lowered  }
0x9b: {  	s22 =	simm.s32 $0x1BFF;
	s21 =	sshll.u32 s6, $0x1;
	s3 =	sadd.s32 s4, s19  }
0x9c: {  	s7 =	simm.s32 $0x0;
	s20 =	sshll.u32 s5, $0x1;
	s5 =	sadd.s32 s21, s3  }
0x9d: {  	[timem:s7], [sflag:s22] =	dma.local [hbm:s5], s20  }
0x9e: {  	_ =	swait.ge [sflag:s22], s20  }
0x9f: {  	s4 =	ssub.s32 $0x0, s20;
	[sflag:s22] =	ssyncset.done $0x0  }
0xa0: {  	[sflag:s22] =	ssyncadd.s32 s4;
	_ =	sdelay $0x1  }
0xa1: {  	s23 =	simm.s32 $0x1B8B  }
0xa2: {  	_ =	swait.ge [sflag:s23], $0x1  }
0xa3: {  	[sflag:s23] =	ssyncset.done $0x0  }
0xa4: {  	s25 =	simm.s32 $0x1B8E;
	s24 =	sld [smem:$0x3FFE];
	[sflag:s23] =	ssyncadd.s32 $0xFFFFFFFF  }
0xa5: {  	s26 =	simm.s32 $execute0_lowered;
	[smem:$0x3FD2] =	sst s25  }
0xa6: {  	s5 =	sshll.u32 s26, $0x1;
	_ =	strace $0x80000049;
	[dreg:$0x1] =	wrdreg $0xFFFFFFFF  }
0xa7: {  	s28 =	simm.s32 $_size_execute0_lowered;
	s3 =	sadd.s32 s3, s5;
	[dreg:$0x0] =	wrdreg $0x0  }
0xa8: {  	s5 =	sshll.u32 s28, $0x1;
	[dreg:$0x2] =	wrdreg s3  }
0xa9: {  	[dreg:$0x3] =	wrdreg s5  }
0xaa: {  	[dreg:$0x4] =	wrdreg $0xC0  }
0xab: {  	_ =	task [dreg:s7], $0x5FFFF  }
0xac: {  	[dreg:$0x1] =	wrdreg $0xFFFFFFFF  }
0xad: {  	[dreg:$0x0] =	wrdreg $0x60  }
0xae: {  	[dreg:$0x2] =	wrdreg s24  }
0xaf: {  	[dreg:$0x3] =	wrdreg s2  }
0xb0: {  	[dreg:$0x4] =	wrdreg $0xB9000  }
0xb1: {  	[dreg:$0x5] =	wrdreg $0x9  }
0xb2: {  	_ =	task.clear_ibuf [dreg:s7], $0x6FFFF;
	_ =	strace $0x90000049  }
0xb3: {  	s29 =	simm.s32 $0x9;
	_ =	strace $0x8000004B  }
0xb4: {  	_ =	swait.ge [sflag:s29], $0x1  }
0xb5: {  	[sflag:s29] =	ssyncadd.s32 $0xFFFFFFFF  }
0xb6: {  	_ =	strace $0x9000004B  }
0xb7: {  	_ =	sfence  }
0xb8: {  	s30 =	sld [smem:$0x0];
	_ =	sdelay $0x2  }
0xb9: {  	s31 =	sshll.u32 s1, $0xD;
	s1 =	sshrl.u32 s1, $0x2  }
0xba: {  	s3 =	sand.u32 $0x4000, s31;
	s1 =	sadd.s32 s1, s30  }
0xbb: {  	s0 =	sor.u32 s3, s0;
	s1 =	sshll.u32 s1, $0x11  }
0xbc: {  	s0 =	sor.u32 s1, s0  }
0xbd: {  	s0 =	sadd.s32 $0x8F2B, s0  }
0xbe: {  	[sflag:s0] =	ssyncadd.remote.s32 $0x1  }
0xbf: {  	_ =	sfence.sel $0xFFFF  }
0xc0: {  	[dreg:$0x0] =	wrdreg $0xFFFFFFFF;
	(pc) =	sbr.abs _section_cstart, $3  }
0xc1: {  	[dreg:$0x1] =	wrdreg $0xFFFFFFFF  }
0xc2: {  	_ =	task.clear_ibuf [dreg:s7], $0x2FFFF;
	_ =	strace $0x9FFFFFFF  }
0xc3: {  	(tm) =	ssettm $0x7FFFFFFF  }
tec
execute0_lowered:
.L_overlay_start_1:
0x0: {  	(tag) =	ssettag $0x1  }
0x1: {  	s0 =	rddreg [dreg:$0x0]  }
0x2: {  	s2 =	rddreg [dreg:$0x1]  }
0x3: {  	s1 =	rddreg [dreg:$0x2]  }
0x4: {  	s3 =	srdreg.scid;
	s9 =	stileid.u32  }
0x5: {  	s5 =	sand.u32 $0x1, s3;
	s3 =	simm.s32 $0x0;
	s7 =	smul.u32 $0x14000, s9  }
0x6: {  	s8 =	sadd.s32 $0x3000, s0;
	s6 =	smul.u32 $0x140000, s5;
	[smem:$0x7FF] =	sst s3  }
0x7: {  	s10 =	sshll.u32 s5, $0x4;
	s5 =	ssub.s32 $0x2, s5;
	_ =	strace $0x8000004A  }
0x8: {  	[dreg:$0x4] =	wrdreg s8;
	s8 =	sor.u32 s9, s10;
	s9 =	smul.u32 $0x50000, s9  }
0x9: {  	s11 =	sshrl.u32 s5, $0x1;
	s7 =	sadd.s32 s7, s6;
	s10 =	smul.u32 $0xA00, s8  }
0xa: {  	s5 =	ssub.s32 s5, s11;
	s7 =	sshrl.u32 s7, $0x3;
	s11 =	sshrl.u32 s9, $0x2  }
0xb: {  	s25 =	smax.u32 s5, $0x1;
	s12 =	sadd.s32 s7, s0;
	s7 =	sadd.s32 $0x10, s2  }
0xc: {  	s2 =	sadd.s32 s2, s10;
	[dreg:$0x13] =	wrdreg s25;
	s9 =	sadd.s32 s10, s7  }
0xd: {  	s10 =	sadd.s32 s11, s1;
	[dreg:$0x5] =	wrdreg s2;
	s24 =	sadd.s32 $0x2A800, s12  }
0xe: {  	s13 =	sadd.s32 $0x1000, s10;
	[dreg:$0x12] =	wrdreg s24  }
0xf: {  	s14 =	sadd.s32 $0x2000, s10;
	[dreg:$0x7] =	wrdreg s13  }
0x10: {  	s15 =	sadd.s32 $0x3000, s10;
	[dreg:$0x8] =	wrdreg s14  }
0x11: {  	s16 =	sadd.s32 $0x4000, s10;
	[dreg:$0x9] =	wrdreg s15  }
0x12: {  	s4 =	sadd.s32 $0x3600, s0;
	s17 =	sadd.s32 $0x5000, s10;
	[dreg:$0xa] =	wrdreg s16  }
0x13: {  	s6 =	sadd.s32 $0x2A00, s0;
	s18 =	sadd.s32 $0x6000, s10;
	[dreg:$0xb] =	wrdreg s17  }
0x14: {  	p0 =	seq.s32 s8, $0x1F;
	s19 =	sadd.s32 $0x7000, s10;
	[dreg:$0xc] =	wrdreg s18  }
0x15: {  	s0 =	sadd.s32 $0x2A10, s0;
	s20 =	sadd.s32 $0x8000, s10;
	[dreg:$0xd] =	wrdreg s19  }
0x16: {  	s11 =	sadd.s32 $0x30, s2;
	s21 =	sadd.s32 $0x9000, s10;
	[dreg:$0xe] =	wrdreg s20  }
0x17: {  	s12 =	simm.s32 $0x2800;
	s22 =	sadd.s32 $0xA000, s10;
	[dreg:$0xf] =	wrdreg s21  }
0x18: {  	s11 =	smov.u32 @p0 s0;
	s23 =	sadd.s32 $0xB000, s10;
	[dreg:$0x10] =	wrdreg s22  }
0x19: {  	s9 =	smov.u32 @p0 s6;
	s26 =	sadd.s32 $0xC000, s10;
	[dreg:$0x11] =	wrdreg s23  }
0x1a: {  	s28 =	sadd.s32 $0xD000, s10;
	s29 =	sadd.s32 $0xE000, s10;
	[dreg:$0x6] =	wrdreg s9  }
0x1b: {  	s30 =	sadd.s32 $0xF000, s10;
	s31 =	sadd.s32 $0x10000, s10;
	[dreg:$0x14] =	wrdreg s26  }
0x1c: {  	s0 =	sadd.s32 $0x11000, s10;
	s2 =	sadd.s32 $0x12000, s10;
	[dreg:$0x15] =	wrdreg s28  }
0x1d: {  	s5 =	sadd.s32 $0x13000, s10;
	s23 =	smul.u32 $0x50, s8;
	[dreg:$0x16] =	wrdreg s29  }
0x1e: {  	[dreg:$0x17] =	wrdreg s30;
	s13 =	simm.s32 $0x80;
	s14 =	simm.s32 $0x2900  }
0x1f: {  	s15 =	simm.s32 $0x2880;
	s16 =	simm.s32 $0x6900;
	s17 =	simm.s32 $0xA900  }
0x20: {  	s18 =	simm.s32 $0x5;
	s19 =	simm.s32 $0x3;
	s8 =	simm.s32 $0x1  }
0x21: {  	v0 =	vimm.f32 $0.0e+00;
	s20 =	simm.s32 $0x4;
	s21 =	simm.s32 $0x2;
	s22 =	simm.s32 $0x0  }
.LBB2_1:
0x22: {  	s24 =	simm.s32 @p0 $0x0;
	s9 =	rddreg [dreg:$0x4]  }
0x23: {  	[tilespmem:s24], [sflag:$0x5] =	stream.linear.gather @p0 [hbm4b:s9+s24], $0x2800, $0x38;
	[tilespmem:$0x1F900] =	vst v63  }
0x24: {  	s24 =	simm.s32 @p0 $0x5  }
0x25: {  	_ =	swait.ge @p0 [sflag:s24], $0x2800  }
0x26: {  	s25 =	simm.s32 @!p0 $0x100;
	s26 =	simm.s32 @!p0 $0x0;
	[sflag:s24] =	ssyncset.done @p0 $0x0  }
0x27: {  	s9 =	rddreg [dreg:$0x5];
	[sflag:s24] =	ssyncadd.s32 @p0 $0xFFFFD800;
	s24 =	simm.s32 @!p0 $0x80  }
0x28: {  	[tilespmem:s26], [sflag:$0x5] =	stream.strided.gather @!p0 [hbm4b:s9+s24], $0x2800, s25, s24, $0x38;
	[tilespmem:$0x1F900] =	vst v63  }
0x29: {  	s24 =	simm.s32 @!p0 $0x5  }
0x2a: {  	_ =	swait.ge @!p0 [sflag:s24], $0x2800  }
0x2b: {  	[sflag:s24] =	ssyncset.done @!p0 $0x0  }
0x2c: {  	s30 =	rddreg [dreg:$0x6];
	[sflag:s24] =	ssyncadd.s32 @!p0 $0xFFFFD800  }
0x2d: {  	[tilespmem:s12], [sflag:$0x3] =	stream.linear.gather [hbm4b:s30+s3], $0x80, $0x38;
	[tilespmem:$0x1F900] =	vst v63  }
0x2e: {  	_ = 	snop  }
0x2f: {  	[tilespmem:s14], [sflag:$0x1] =	stream.indirect.gather [hbm4b:s4+s13], $0x80, s3, s13, $0xb8;
	[tilespmem:$0x1F900] =	vst v63  }
0x30: {  	_ = 	snop  }
0x31: {  	[tilespmem:s15], [sflag:$0x4] =	stream.linear.gather [hbm4b:s11+s3], $0x80, $0x38;
	[tilespmem:$0x1F900] =	vst v63  }
0x32: {  	s24 =	simm.s32 $0xAA00  }
0x33: {  	[tilespmem:s16], [sflag:$0x2] =	stream.indirect.gather [hbm4b:s4+s13], $0x80, s13, s13, $0xb8;
	[tilespmem:$0x1F900] =	vst v63  }
0x34: {  	[tilespmem:s24+$0xFFFFFF00] =	vst v0  }
0x35: {  	[tilespmem:s24+$0xF0] =	vst v0  }
0x36: {  	[tilespmem:s24+$0xE0] =	vst v0  }
0x37: {  	[tilespmem:s24+$0xD0] =	vst v0  }
0x38: {  	[tilespmem:s24+$0xC0] =	vst v0  }
0x39: {  	[tilespmem:s24+$0xB0] =	vst v0  }
0x3a: {  	[tilespmem:s24+$0xA0] =	vst v0  }
0x3b: {  	[tilespmem:s24+$0x90] =	vst v0  }
0x3c: {  	[tilespmem:s24+$0x80] =	vst v0  }
0x3d: {  	[tilespmem:s24+$0x70] =	vst v0  }
0x3e: {  	[tilespmem:s24+$0x60] =	vst v0  }
0x3f: {  	[tilespmem:s24+$0x50] =	vst v0  }
0x40: {  	[tilespmem:s24+$0x40] =	vst v0  }
0x41: {  	[tilespmem:s24+$0x30] =	vst v0  }
0x42: {  	[tilespmem:s24+$0x20] =	vst v0  }
0x43: {  	[tilespmem:s24+$0x10] =	vst v0  }
0x44: {  	[tilespmem:s24+$0x0] =	vst v0  }
0x45: {  	[tilespmem:s24+$0xFFFFFFF0] =	vst v0  }
0x46: {  	[tilespmem:s24+$0xFFFFFFE0] =	vst v0  }
0x47: {  	[tilespmem:s24+$0xFFFFFFD0] =	vst v0  }
0x48: {  	[tilespmem:s24+$0xFFFFFFC0] =	vst v0  }
0x49: {  	[tilespmem:s24+$0xFFFFFFB0] =	vst v0  }
0x4a: {  	[tilespmem:s24+$0xFFFFFFA0] =	vst v0  }
0x4b: {  	[tilespmem:s24+$0xFFFFFF90] =	vst v0  }
0x4c: {  	[tilespmem:s24+$0xFFFFFF80] =	vst v0  }
0x4d: {  	[tilespmem:s24+$0xFFFFFF70] =	vst v0  }
0x4e: {  	[tilespmem:s24+$0xFFFFFF60] =	vst v0  }
0x4f: {  	[tilespmem:s24+$0xFFFFFF50] =	vst v0  }
0x50: {  	[tilespmem:s24+$0xFFFFFF40] =	vst v0  }
0x51: {  	[tilespmem:s24+$0xFFFFFF30] =	vst v0  }
0x52: {  	s25 =	simm.s32 $0x0;
	[tilespmem:s24+$0xFFFFFF20] =	vst v0  }
.LBB2_2:
0x53: {  	s25 =	sadd.s32 $0x4, s25;
	[tilespmem:s24+$0xFFFFFF10] =	vst v0;
	s24 =	sadd.s32 $0x200, s24  }
0x54: {  	[tilespmem:s24+$0xFFFFFF00] =	vst v0;
	p1 =	slt.u32 s25, $0x1C  }
0x55: {  	[tilespmem:s24+$0xF0] =	vst v0  }
0x56: {  	[tilespmem:s24+$0xE0] =	vst v0  }
0x57: {  	[tilespmem:s24+$0xD0] =	vst v0  }
0x58: {  	[tilespmem:s24+$0xC0] =	vst v0  }
0x59: {  	[tilespmem:s24+$0xB0] =	vst v0  }
0x5a: {  	[tilespmem:s24+$0xA0] =	vst v0  }
0x5b: {  	[tilespmem:s24+$0x90] =	vst v0  }
0x5c: {  	[tilespmem:s24+$0x80] =	vst v0  }
0x5d: {  	[tilespmem:s24+$0x70] =	vst v0  }
0x5e: {  	[tilespmem:s24+$0x60] =	vst v0  }
0x5f: {  	[tilespmem:s24+$0x50] =	vst v0  }
0x60: {  	[tilespmem:s24+$0x40] =	vst v0  }
0x61: {  	[tilespmem:s24+$0x30] =	vst v0  }
0x62: {  	[tilespmem:s24+$0x20] =	vst v0  }
0x63: {  	[tilespmem:s24+$0x10] =	vst v0  }
0x64: {  	[tilespmem:s24+$0x0] =	vst v0  }
0x65: {  	[tilespmem:s24+$0xFFFFFFF0] =	vst v0  }
0x66: {  	[tilespmem:s24+$0xFFFFFFE0] =	vst v0  }
0x67: {  	[tilespmem:s24+$0xFFFFFFD0] =	vst v0  }
0x68: {  	[tilespmem:s24+$0xFFFFFFC0] =	vst v0  }
0x69: {  	[tilespmem:s24+$0xFFFFFFB0] =	vst v0  }
0x6a: {  	[tilespmem:s24+$0xFFFFFFA0] =	vst v0  }
0x6b: {  	[tilespmem:s24+$0xFFFFFF90] =	vst v0  }
0x6c: {  	[tilespmem:s24+$0xFFFFFF80] =	vst v0  }
0x6d: {  	[tilespmem:s24+$0xFFFFFF70] =	vst v0  }
.Ltmp0:
0x6e: {  	[tilespmem:s24+$0xFFFFFF60] =	vst v0;
	(pc) =	sbr.rel @p1 .LBB2_2-.Ltmp0, $4  }
0x6f: {  	[tilespmem:s24+$0xFFFFFF50] =	vst v0  }
0x70: {  	[tilespmem:s24+$0xFFFFFF40] =	vst v0  }
0x71: {  	[tilespmem:s24+$0xFFFFFF30] =	vst v0  }
0x72: {  	[tilespmem:s24+$0xFFFFFF20] =	vst v0  }
0x73: {  	[tilespmem:s24+$0xFFFFFF10] =	vst v0  }
0x74: {  	[spmem:s10] =	stream.linear.scatter [tilespmem:s17], [sflag:$0x5], $0x1000, $0x38;
	[tilespmem:$0x1F900] =	vst v63  }
0x75: {  	_ =	swait.ge [sflag:s18], $0x1000  }
0x76: {  	[sflag:s18] =	ssyncset.done $0x0  }
0x77: {  	s9 =	rddreg [dreg:$0x7];
	[sflag:s18] =	ssyncadd.s32 $0xFFFFF000  }
0x78: {  	[spmem:s9] =	stream.linear.scatter [tilespmem:s17], [sflag:$0x5], $0x1000, $0x38;
	[tilespmem:$0x1F900] =	vst v63  }
0x79: {  	_ =	swait.ge [sflag:s18], $0x1000  }
0x7a: {  	[sflag:s18] =	ssyncset.done $0x0  }
0x7b: {  	s25 =	rddreg [dreg:$0x8];
	[sflag:s18] =	ssyncadd.s32 $0xFFFFF000  }
0x7c: {  	[spmem:s25] =	stream.linear.scatter [tilespmem:s17], [sflag:$0x5], $0x1000, $0x38;
	[tilespmem:$0x1F900] =	vst v63  }
0x7d: {  	_ =	swait.ge [sflag:s18], $0x1000  }
0x7e: {  	[sflag:s18] =	ssyncset.done $0x0  }
0x7f: {  	s26 =	rddreg [dreg:$0x9];
	[sflag:s18] =	ssyncadd.s32 $0xFFFFF000  }
0x80: {  	[spmem:s26] =	stream.linear.scatter [tilespmem:s17], [sflag:$0x5], $0x1000, $0x38;
	[tilespmem:$0x1F900] =	vst v63  }
0x81: {  	_ =	swait.ge [sflag:s18], $0x1000  }
0x82: {  	[sflag:s18] =	ssyncset.done $0x0  }
0x83: {  	s29 =	rddreg [dreg:$0xa];
	[sflag:s18] =	ssyncadd.s32 $0xFFFFF000  }
0x84: {  	[spmem:s29] =	stream.linear.scatter [tilespmem:s17], [sflag:$0x5], $0x1000, $0x38;
	[tilespmem:$0x1F900] =	vst v63  }
0x85: {  	_ =	swait.ge [sflag:s18], $0x1000  }
0x86: {  	[sflag:s18] =	ssyncset.done $0x0  }
0x87: {  	s30 =	rddreg [dreg:$0xb];
	[sflag:s18] =	ssyncadd.s32 $0xFFFFF000  }
0x88: {  	[spmem:s30] =	stream.linear.scatter [tilespmem:s17], [sflag:$0x5], $0x1000, $0x38;
	[tilespmem:$0x1F900] =	vst v63  }
0x89: {  	_ =	swait.ge [sflag:s18], $0x1000  }
0x8a: {  	[sflag:s18] =	ssyncset.done $0x0  }
0x8b: {  	s24 =	rddreg [dreg:$0xc];
	[sflag:s18] =	ssyncadd.s32 $0xFFFFF000  }
0x8c: {  	[spmem:s24] =	stream.linear.scatter [tilespmem:s17], [sflag:$0x5], $0x1000, $0x38;
	[tilespmem:$0x1F900] =	vst v63  }
0x8d: {  	_ =	swait.ge [sflag:s18], $0x1000  }
0x8e: {  	[sflag:s18] =	ssyncset.done $0x0  }
0x8f: {  	s25 =	rddreg [dreg:$0xd];
	[sflag:s18] =	ssyncadd.s32 $0xFFFFF000  }
0x90: {  	[spmem:s25] =	stream.linear.scatter [tilespmem:s17], [sflag:$0x5], $0x1000, $0x38;
	[tilespmem:$0x1F900] =	vst v63  }
0x91: {  	_ =	swait.ge [sflag:s18], $0x1000  }
0x92: {  	[sflag:s18] =	ssyncset.done $0x0  }
0x93: {  	s26 =	rddreg [dreg:$0xe];
	[sflag:s18] =	ssyncadd.s32 $0xFFFFF000  }
0x94: {  	[spmem:s26] =	stream.linear.scatter [tilespmem:s17], [sflag:$0x5], $0x1000, $0x38;
	[tilespmem:$0x1F900] =	vst v63  }
0x95: {  	_ =	swait.ge [sflag:s18], $0x1000  }
0x96: {  	[sflag:s18] =	ssyncset.done $0x0  }
0x97: {  	s29 =	rddreg [dreg:$0xf];
	[sflag:s18] =	ssyncadd.s32 $0xFFFFF000  }
0x98: {  	[spmem:s29] =	stream.linear.scatter [tilespmem:s17], [sflag:$0x5], $0x1000, $0x38;
	[tilespmem:$0x1F900] =	vst v63  }
0x99: {  	_ =	swait.ge [sflag:s18], $0x1000  }
0x9a: {  	[sflag:s18] =	ssyncset.done $0x0  }
0x9b: {  	s30 =	rddreg [dreg:$0x10];
	[sflag:s18] =	ssyncadd.s32 $0xFFFFF000  }
0x9c: {  	[spmem:s30] =	stream.linear.scatter [tilespmem:s17], [sflag:$0x5], $0x1000, $0x38;
	[tilespmem:$0x1F900] =	vst v63  }
0x9d: {  	_ =	swait.ge [sflag:s18], $0x1000  }
0x9e: {  	[sflag:s18] =	ssyncset.done $0x0  }
0x9f: {  	s24 =	rddreg [dreg:$0x11];
	[sflag:s18] =	ssyncadd.s32 $0xFFFFF000  }
0xa0: {  	[spmem:s24] =	stream.linear.scatter [tilespmem:s17], [sflag:$0x5], $0x1000, $0x38;
	[tilespmem:$0x1F900] =	vst v63  }
0xa1: {  	_ =	swait.ge [sflag:s18], $0x1000  }
0xa2: {  	[sflag:s18] =	ssyncset.done $0x0  }
0xa3: {  	s25 =	rddreg [dreg:$0x14];
	[sflag:s18] =	ssyncadd.s32 $0xFFFFF000  }
0xa4: {  	[spmem:s25] =	stream.linear.scatter [tilespmem:s17], [sflag:$0x5], $0x1000, $0x38;
	[tilespmem:$0x1F900] =	vst v63  }
0xa5: {  	_ =	swait.ge [sflag:s18], $0x1000  }
0xa6: {  	[sflag:s18] =	ssyncset.done $0x0  }
0xa7: {  	s26 =	rddreg [dreg:$0x15];
	[sflag:s18] =	ssyncadd.s32 $0xFFFFF000  }
0xa8: {  	[spmem:s26] =	stream.linear.scatter [tilespmem:s17], [sflag:$0x5], $0x1000, $0x38;
	[tilespmem:$0x1F900] =	vst v63  }
0xa9: {  	_ =	swait.ge [sflag:s18], $0x1000  }
0xaa: {  	[sflag:s18] =	ssyncset.done $0x0  }
0xab: {  	s29 =	rddreg [dreg:$0x16];
	[sflag:s18] =	ssyncadd.s32 $0xFFFFF000  }
0xac: {  	[spmem:s29] =	stream.linear.scatter [tilespmem:s17], [sflag:$0x5], $0x1000, $0x38;
	[tilespmem:$0x1F900] =	vst v63  }
0xad: {  	_ =	swait.ge [sflag:s18], $0x1000  }
0xae: {  	[sflag:s18] =	ssyncset.done $0x0  }
0xaf: {  	s30 =	rddreg [dreg:$0x17];
	[sflag:s18] =	ssyncadd.s32 $0xFFFFF000  }
0xb0: {  	[spmem:s30] =	stream.linear.scatter [tilespmem:s17], [sflag:$0x5], $0x1000, $0x38;
	[tilespmem:$0x1F900] =	vst v63  }
0xb1: {  	_ =	swait.ge [sflag:s18], $0x1000  }
0xb2: {  	[sflag:s18] =	ssyncset.done $0x0  }
0xb3: {  	[sflag:s18] =	ssyncadd.s32 $0xFFFFF000  }
0xb4: {  	[spmem:s31] =	stream.linear.scatter [tilespmem:s17], [sflag:$0x5], $0x1000, $0x38;
	[tilespmem:$0x1F900] =	vst v63  }
0xb5: {  	_ =	swait.ge [sflag:s18], $0x1000  }
0xb6: {  	[sflag:s18] =	ssyncset.done $0x0  }
0xb7: {  	[sflag:s18] =	ssyncadd.s32 $0xFFFFF000  }
0xb8: {  	[spmem:s0] =	stream.linear.scatter [tilespmem:s17], [sflag:$0x5], $0x1000, $0x38;
	[tilespmem:$0x1F900] =	vst v63  }
0xb9: {  	_ =	swait.ge [sflag:s18], $0x1000  }
0xba: {  	[sflag:s18] =	ssyncset.done $0x0  }
0xbb: {  	[sflag:s18] =	ssyncadd.s32 $0xFFFFF000  }
0xbc: {  	[spmem:s2] =	stream.linear.scatter [tilespmem:s17], [sflag:$0x5], $0x1000, $0x38;
	[tilespmem:$0x1F900] =	vst v63  }
0xbd: {  	_ =	swait.ge [sflag:s18], $0x1000  }
0xbe: {  	[sflag:s18] =	ssyncset.done $0x0  }
0xbf: {  	[sflag:s18] =	ssyncadd.s32 $0xFFFFF000  }
0xc0: {  	[spmem:s5] =	stream.linear.scatter [tilespmem:s17], [sflag:$0x5], $0x1000, $0x38;
	[tilespmem:$0x1F900] =	vst v63  }
0xc1: {  	_ =	swait.ge [sflag:s18], $0x1000  }
0xc2: {  	[sflag:s18] =	ssyncset.done $0x0  }
0xc3: {  	[sflag:s18] =	ssyncadd.s32 $0xFFFFF000  }
0xc4: {  	[bflag:$0x0] =	sbarrier.arrive $0xFFFF  }
0xc5: {  	_ =	swait.ge [sflag:s19], $0x80  }
0xc6: {  	[sflag:s19] =	ssyncset.done $0x0  }
0xc7: {  	[sflag:s19] =	ssyncadd.s32 $0xFFFFFF80  }
0xc8: {  	_ =	swait.ge [sflag:s8], $0x4000  }
0xc9: {  	s24 =	sadd.s32 @!p0 $0x2, s23;
	[sflag:s8] =	ssyncset.done $0x0  }
0xca: {  	s24 =	sshll.u32 @!p0 s24, $0x5;
	[sflag:s8] =	ssyncadd.s32 $0xFFFFC000  }
0xcb: {  	[spmem:s1] =	stream.indirect.scatter.add.f32 [tilespmem:s14], [sflag:$0x5], $0x80, s12, s13, $0xb8;
	[tilespmem:$0x1F900] =	vst v63  }
0xcc: {  	s24 =	sand.u32 @!p0 $0x1FFFFFC0, s24;
	s25 =	sadd.s32 @p0 $0xFFFFFB20, s6;
	_ =	swait.ge [sflag:s18], $0x4000  }
0xcd: {  	s24 =	sadd.s32 @!p0 s24, s7;
	s26 =	sadd.s32 @p0 $0x500, s25;
	[sflag:s18] =	ssyncset.done $0x0  }
0xce: {  	s24 =	smov.u32 @p0 s26;
	[sflag:s18] =	ssyncadd.s32 $0xFFFFC000  }
0xcf: {  	[tilespmem:s12], [sflag:$0x3] =	stream.linear.gather [hbm4b:s24+s3], $0x80, $0x38;
	[tilespmem:$0x1F900] =	vst v63  }
0xd0: {  	s24 =	simm.s32 $0x100  }
0xd1: {  	[tilespmem:s14], [sflag:$0x1] =	stream.indirect.gather [hbm4b:s4+s13], $0x80, s24, s13, $0xb8;
	[tilespmem:$0x1F900] =	vst v63  }
0xd2: {  	_ =	swait.ge [sflag:s20], $0x80  }
0xd3: {  	[sflag:s20] =	ssyncset.done $0x0  }
0xd4: {  	[sflag:s20] =	ssyncadd.s32 $0xFFFFFF80  }
0xd5: {  	_ =	swait.ge [sflag:s21], $0x4000  }
0xd6: {  	s26 =	sadd.s32 @!p0 $0x3, s23;
	[sflag:s21] =	ssyncset.done $0x0  }
0xd7: {  	s26 =	sshll.u32 @!p0 s26, $0x5;
	[sflag:s21] =	ssyncadd.s32 $0xFFFFC000  }
0xd8: {  	[spmem:s1] =	stream.indirect.scatter.add.f32 [tilespmem:s16], [sflag:$0x5], $0x80, s15, s13, $0xb8;
	[tilespmem:$0x1F900] =	vst v63  }
0xd9: {  	s26 =	sand.u32 @!p0 $0x1FFFFFE0, s26;
	_ =	swait.ge [sflag:s18], $0x4000  }
0xda: {  	s25 =	sadd.s32 @p0 $0x510, s25;
	s26 =	sadd.s32 @!p0 s26, s7;
	[sflag:s18] =	ssyncset.done $0x0  }
0xdb: {  	s26 =	smov.u32 @p0 s25;
	[sflag:s18] =	ssyncadd.s32 $0xFFFFC000  }
0xdc: {  	[tilespmem:s15], [sflag:$0x4] =	stream.linear.gather [hbm4b:s26+s3], $0x80, $0x38;
	[tilespmem:$0x1F900] =	vst v63  }
0xdd: {  	s28 =	simm.s32 $0x180;
	s25 =	simm.s32 $0x0;
	s26 =	simm.s32 $0xFFFFFB40  }
.LBB2_4:
0xde: {  	s25 =	sadd.s32 $0x1, s25  }
0xdf: {  	s24 =	sadd.s32 $0x100, s24;
	s29 =	smov.u32 s26;
	s26 =	sadd.s32 $0x20, s26  }
0xe0: {  	[tilespmem:s16], [sflag:$0x2] =	stream.indirect.gather [hbm4b:s4+s13], $0x80, s28, s13, $0xb8;
	[tilespmem:$0x1F900] =	vst v63  }
0xe1: {  	p1 =	sne.s32 s26, $0x0;
	_ =	swait.ge [sflag:s19], $0x80  }
0xe2: {  	[sflag:s19] =	ssyncset.done $0x0  }
0xe3: {  	[sflag:s19] =	ssyncadd.s32 $0xFFFFFF80  }
0xe4: {  	s28 =	sshll.u32 s25, $0x1;
	_ =	swait.ge [sflag:s8], $0x4000  }
0xe5: {  	s30 =	sadd.s32 $0x2, s28;
	s28 =	sadd.s32 $0x3, s28;
	[sflag:s8] =	ssyncset.done $0x0  }
0xe6: {  	s30 =	sadd.s32 @!p0 s23, s30;
	s28 =	sadd.s32 @!p0 s23, s28;
	[sflag:s8] =	ssyncadd.s32 $0xFFFFC000  }
0xe7: {  	[spmem:s1] =	stream.indirect.scatter.add.f32 [tilespmem:s14], [sflag:$0x5], $0x80, s12, s13, $0xb8;
	[tilespmem:$0x1F900] =	vst v63  }
0xe8: {  	s29 =	sadd.s32 @p0 s29, s6;
	s30 =	sshll.u32 @!p0 s30, $0x5;
	_ =	swait.ge [sflag:s18], $0x4000  }
0xe9: {  	s9 =	sadd.s32 @p0 $0x500, s29;
	s30 =	sand.u32 @!p0 $0x1FFFFFC0, s30;
	[sflag:s18] =	ssyncset.done $0x0  }
0xea: {  	s28 =	sshll.u32 @!p0 s28, $0x5;
	s30 =	sadd.s32 @!p0 s30, s7;
	[sflag:s18] =	ssyncadd.s32 $0xFFFFC000  }
0xeb: {  	s28 =	sand.u32 @!p0 $0x1FFFFFE0, s28;
	s30 =	smov.u32 @p0 s9;
	s9 =	sadd.s32 @p0 $0x510, s29  }
0xec: {  	[tilespmem:s12], [sflag:$0x3] =	stream.linear.gather [hbm4b:s30+s3], $0x80, $0x38;
	[tilespmem:$0x1F900] =	vst v63  }
0xed: {  	s29 =	sadd.s32 @!p0 s28, s7  }
0xee: {  	[tilespmem:s14], [sflag:$0x1] =	stream.indirect.gather [hbm4b:s4+s13], $0x80, s24, s13, $0xb8;
	[tilespmem:$0x1F900] =	vst v63  }
0xef: {  	s29 =	smov.u32 @p0 s9;
	_ =	swait.ge [sflag:s20], $0x80  }
0xf0: {  	[sflag:s20] =	ssyncset.done $0x0  }
0xf1: {  	[sflag:s20] =	ssyncadd.s32 $0xFFFFFF80  }
0xf2: {  	_ =	swait.ge [sflag:s21], $0x4000  }
0xf3: {  	[sflag:s21] =	ssyncset.done $0x0  }
0xf4: {  	[sflag:s21] =	ssyncadd.s32 $0xFFFFC000  }
0xf5: {  	[spmem:s1] =	stream.indirect.scatter.add.f32 [tilespmem:s16], [sflag:$0x5], $0x80, s15, s13, $0xb8;
	[tilespmem:$0x1F900] =	vst v63  }
.Ltmp1:
0xf6: {  	_ = 	snop;
	(pc) =	sbr.rel @p1 .LBB2_4-.Ltmp1, $4  }
0xf7: {  	_ =	swait.ge [sflag:s18], $0x4000  }
0xf8: {  	[sflag:s18] =	ssyncset.done $0x0  }
0xf9: {  	s28 =	sadd.s32 $0x80, s24;
	[sflag:s18] =	ssyncadd.s32 $0xFFFFC000  }
0xfa: {  	[tilespmem:s15], [sflag:$0x4] =	stream.linear.gather [hbm4b:s29+s3], $0x80, $0x38;
	[tilespmem:$0x1F900] =	vst v63  }
0xfb: {  	[tilespmem:s16], [sflag:$0x2] =	stream.indirect.gather [hbm4b:s4+s13], $0x80, s28, s13, $0xb8;
	[tilespmem:$0x1F900] =	vst v63  }
0xfc: {  	_ =	swait.ge [sflag:s19], $0x80  }
0xfd: {  	[sflag:s19] =	ssyncset.done $0x0  }
0xfe: {  	[sflag:s19] =	ssyncadd.s32 $0xFFFFFF80  }
0xff: {  	_ =	swait.ge [sflag:s8], $0x4000  }
0x100: {  	[sflag:s8] =	ssyncset.done $0x0  }
0x101: {  	[sflag:s8] =	ssyncadd.s32 $0xFFFFC000  }
0x102: {  	[spmem:s1] =	stream.indirect.scatter.add.f32 [tilespmem:s14], [sflag:$0x5], $0x80, s12, s13, $0xb8;
	[tilespmem:$0x1F900] =	vst v63  }
0x103: {  	_ =	swait.ge [sflag:s18], $0x4000  }
0x104: {  	[sflag:s18] =	ssyncset.done $0x0  }
0x105: {  	[sflag:s18] =	ssyncadd.s32 $0xFFFFC000  }
0x106: {  	_ =	swait.ge [sflag:s20], $0x80  }
0x107: {  	[sflag:s20] =	ssyncset.done $0x0  }
0x108: {  	[sflag:s20] =	ssyncadd.s32 $0xFFFFFF80  }
0x109: {  	_ =	swait.ge [sflag:s21], $0x4000  }
0x10a: {  	[sflag:s21] =	ssyncset.done $0x0  }
0x10b: {  	[sflag:s21] =	ssyncadd.s32 $0xFFFFC000  }
0x10c: {  	[spmem:s1] =	stream.indirect.scatter.add.f32 [tilespmem:s16], [sflag:$0x5], $0x80, s15, s13, $0xb8;
	[tilespmem:$0x1F900] =	vst v63  }
0x10d: {  	_ =	swait.ge [sflag:s18], $0x4000  }
0x10e: {  	[sflag:s18] =	ssyncset.done $0x0  }
0x10f: {  	s9 =	stileid.u32;
	[sflag:s18] =	ssyncadd.s32 $0xFFFFC000  }
0x110: {  	s9 =	sshll.u32 s9, $0x6;
	[bflag:$0x0] =	sbarrier.arrive $0xFFFF  }
0x111: {  	s24 =	sshrl.u32 s10, $0x3;
	s9 =	sor.u32 $0x1C05, s9;
	s25 =	rddreg [dreg:$0x12]  }
0x112: {  	[hbm:s25], [sflag:s9] =	dma.local [spmem:s24], $0x2800  }
0x113: {  	_ =	swait.ge [sflag:s18], $0x2800  }
0x114: {  	s22 =	sadd.s32 $0x1, s22;
	s30 =	rddreg [dreg:$0x13]  }
0x115: {  	p1 =	sne.s32 s22, s30  }
.Ltmp2:
0x116: {  	_ = 	snop;
	(pc) =	sbr.rel @p1 .LBB2_1-.Ltmp2, $3  }
0x117: {  	_ =	sdelay $0x1  }
0x118: {  	[sflag:s18] =	ssyncset.done $0x0  }
0x119: {  	[sflag:s18] =	ssyncadd.s32 $0xFFFFD800  }
0x11a: {  	_ =	sfence.sel $0x180000  }
0x11b: {  	[bflag:$0x0] =	sbarrier.arrive $0xFFFF  }
0x11c: {  	_ =	strace $0x9000004A  }
0x11d: {  	s0 =	stileid.u32;
	[bflag:$0x2] =	sbarrier.arrive $0xFFFF  }
0x11e: {  	p0 =	sne.s32 s0, $0x0;
	s0 =	rddreg [dreg:$0x3]  }
0x11f: {  	s0 =	sadd.s32 @!p0 $0x100000, s0  }
0x120: {  	[sflag:s0] =	ssyncadd.tile.s32 @!p0 $0x1;
	_ =	shalt  }
.Lfunc_end2:
_tile_overlayer_lowered:
.L_overlay_start_2:
0x121: {  	(tag) =	ssettag $0x2  }
0x122: {  	s0 =	rddreg [dreg:$0x0];
	s2 =	stileid.u32  }
0x123: {  	s1 =	rddreg [dreg:$0x1];
	p0 =	sne.s32 s2, $0x0  }
0x124: {  	s3 =	rddreg [dreg:$0x2];
	[bflag:$0x3] =	sbarrier.arrive $0xFFFF;
	s2 =	simm.s32 @!p0 $0x1C05  }
0x125: {  	[timem:s3], [sflag:s2] =	dma.local @!p0 [hbm:s0], s1  }
0x126: {  	s0 =	simm.s32 @!p0 $0x5  }
0x127: {  	_ =	swait.ge @!p0 [sflag:s0], s1  }
0x128: {  	s1 =	ssub.s32 @!p0 $0x0, s1;
	[sflag:s0] =	ssyncset.done @!p0 $0x0  }
0x129: {  	[sflag:s0] =	ssyncadd.s32 @!p0 s1  }
0x12a: {  	[bflag:$0x3] =	sbarrier.arrive $0xFFFF  }
0x12b: {  	_ =	shalt  }

// kernel: kernel.7.cloned.1.call-start
scs
__scs_entry_jumppad:
0x0: {  	(pc) =	sbr.rel $0x88, $3  }
0x1: {  	(tag) =	ssettag $0x0;
	lr =	simm.s32 $0x1  }
0x2: {  	[smem:$0x3F99] =	sst lr;
	_ =	strace $0xD0000000  }
0x3: {  	_ = 	snop  }
0x4: {  	_ = 	snop  }
0x5: {  	_ = 	snop  }
0x6: {  	_ = 	snop  }
0x7: {  	_ = 	snop  }
__scs_overlays_trampoline_lowered:
0x8: {  	[smem:$0x3FA8] =	sst s0  }
0x9: {  	[smem:$0x3FA9] =	sst s1  }
0xa: {  	[smem:$0x3FAA] =	sst s2  }
0xb: {  	[smem:$0x3FAB] =	sst s3  }
0xc: {  	[smem:$0x3FAC] =	sst s4  }
0xd: {  	[smem:$0x3FAD] =	sst s5  }
0xe: {  	[smem:$0x3FAE] =	sst s6  }
0xf: {  	[smem:$0x3FAF] =	sst s7  }
0x10: {  	[smem:$0x3FB0] =	sst s8  }
0x11: {  	[smem:$0x3FB1] =	sst s9;
	s0 =	simm.s32 @!p0 $0x0  }
0x12: {  	s1 =	sld [smem:$0x3F97];
	s0 =	simm.s32 @p0 $0x1  }
0x13: {  	[smem:$0x3FB2] =	sst s0;
	s0 =	simm.s32 @!p1 $0x0  }
0x14: {  	s2 =	sld [smem:$0x3F96];
	s0 =	simm.s32 @p1 $0x1  }
0x15: {  	[smem:$0x3FB3] =	sst s0;
	s0 =	simm.s32 @!p2 $0x0  }
0x16: {  	s3 =	sld [smem:$0x3FDB];
	s0 =	simm.s32 @p2 $0x1  }
0x17: {  	s4 =	simm.s32 $0x1BF5;
	[smem:$0x3FB5] =	sst s0  }
0x18: {  	s0 =	sld [smem:$0x3F98];
	_ =	swait.ge [sflag:s4], $0x0  }
0x19: {  	s7 =	sld [smem:$0x3F99]  }
0x1a: {  	s8 =	sadd.s32 $0xFFFFE003, lr  }
0x1b: {  	s9 =	sadd.s32 $0xFFFFFEF7, lr;
	s5 =	simm.s32 $0xFFFFFFFF;
	p2 =	slt.u32 s8, $0xFFFFF086  }
0x1c: {  	p1 =	slt.u32 s9, $0xF7A;
	s5 =	simm.s32 @!p2 $0x0  }
0x1d: {  	s5 =	simm.s32 @p1 $0x1;
	p0 =	seq.s32 s7, s2  }
0x1e: {  	s7 =	smul.u32 @!p0 $0xF7A, s2;
	p2 =	seq.s32 @!p0 s5, $0x0  }
0x1f: {  	s9 =	smul.u32 $0xF7A, s1;
	s8 =	simm.s32 @!p0 $0x1BF5;
	p2 =	por !p2, p0  }
0x20: {  	[sflag:s8] =	ssyncset.s32 @!p0 $0xFFFFF086;
	s6 =	sadd.s32 @!p0 s3, s7;
	s7 =	simm.s32 @!p0 $0x108  }
0x21: {  	s3 =	sadd.s32 s3, s9;
	s6 =	sadd.s32 @!p0 $0x88, s6;
	s7 =	simm.s32 @p2 $0x1082  }
0x22: {  	[simem:s7], [sflag:s8] =	dma.local @!p0 [hbm:s6], $0xF7A  }
0x23: {  	s9 =	sor.u32 $0xD0000000, s2;
	s6 =	simm.s32 $0x108;
	_ =	swait.ge @!p0 [sflag:s8], $0x0  }
0x24: {  	s3 =	sadd.s32 $0x88, s3;
	s6 =	simm.s32 @!p1 $0x1082;
	[sflag:s4] =	ssyncset.s32 $0xFFFFF086  }
0x25: {  	[simem:s6], [sflag:s4] =	dma.local [hbm:s3], $0xF7A  }
0x26: {  	[smem:$0x3F99] =	sst s1;
	(tag) =	ssettag s2;
	_ =	strace s9  }
0x27: {  	s1 =	sld [smem:$0x3FA9]  }
0x28: {  	s2 =	sld [smem:$0x3FAA]  }
0x29: {  	s4 =	sld [smem:$0x3FAC]  }
0x2a: {  	p0 =	seq.s32 s5, $0x0;
	s5 =	sld [smem:$0x3FAD]  }
0x2b: {  	s6 =	sld [smem:$0x3FAE]  }
0x2c: {  	s7 =	sld [smem:$0x3FAF]  }
0x2d: {  	s3 =	simm.s32 $0x108;
	s8 =	sld [smem:$0x3FB0]  }
0x2e: {  	s3 =	simm.s32 @!p0 $0x1082;
	s9 =	sld [smem:$0x3FB1]  }
0x2f: {  	lr =	sadd.s32 s0, s3;
	s0 =	sld [smem:$0x3FA8]  }
0x30: {  	s3 =	sld [smem:$0x3FAB]  }
0x31: {  	[smem:$0x3FB4] =	sst s10  }
0x32: {  	s10 =	sld [smem:$0x3FB2];
	_ =	sdelay $0x3  }
0x33: {  	p0 =	seq.s32 s10, $0x1;
	s10 =	sld [smem:$0x3FB4];
	_ =	sdelay $0x3  }
0x34: {  	[smem:$0x3FB4] =	sst s10  }
0x35: {  	s10 =	sld [smem:$0x3FB3];
	_ =	sdelay $0x3  }
0x36: {  	p1 =	seq.s32 s10, $0x1;
	s10 =	sld [smem:$0x3FB4];
	_ =	sdelay $0x3  }
0x37: {  	[smem:$0x3FB4] =	sst s10  }
0x38: {  	s10 =	sld [smem:$0x3FB5]  }
0x39: {  	_ = 	snop;
	(pc) =	sbr.ind lr, $3  }
0x3a: {  	_ = 	snop  }
0x3b: {  	_ = 	snop  }
0x3c: {  	p2 =	seq.s32 s10, $0x1;
	s10 =	sld [smem:$0x3FB4]  }
0x3d: {  	_ =	shalt  }
0x3e: {  	_ =	shalt  }
0x3f: {  	_ =	shalt  }
0x40: {  	_ =	shalt  }
0x41: {  	_ =	shalt  }
0x42: {  	_ =	shalt  }
0x43: {  	_ =	shalt  }
0x44: {  	_ =	shalt  }
0x45: {  	_ =	shalt  }
0x46: {  	_ =	shalt  }
0x47: {  	_ =	shalt  }
0x48: {  	_ =	shalt  }
0x49: {  	_ =	shalt  }
0x4a: {  	_ =	shalt  }
0x4b: {  	_ =	shalt  }
0x4c: {  	_ =	shalt  }
0x4d: {  	_ =	shalt  }
0x4e: {  	_ =	shalt  }
0x4f: {  	_ =	shalt  }
0x50: {  	_ =	shalt  }
0x51: {  	_ =	shalt  }
0x52: {  	_ =	shalt  }
0x53: {  	_ =	shalt  }
0x54: {  	_ =	shalt  }
0x55: {  	_ =	shalt  }
0x56: {  	_ =	shalt  }
0x57: {  	_ =	shalt  }
0x58: {  	_ =	shalt  }
0x59: {  	_ =	shalt  }
0x5a: {  	_ =	shalt  }
0x5b: {  	_ =	shalt  }
0x5c: {  	_ =	shalt  }
0x5d: {  	_ =	shalt  }
0x5e: {  	_ =	shalt  }
0x5f: {  	_ =	shalt  }
0x60: {  	_ =	shalt  }
0x61: {  	_ =	shalt  }
0x62: {  	_ =	shalt  }
0x63: {  	_ =	shalt  }
0x64: {  	_ =	shalt  }
0x65: {  	_ =	shalt  }
0x66: {  	_ =	shalt  }
0x67: {  	_ =	shalt  }
0x68: {  	_ =	shalt  }
0x69: {  	_ =	shalt  }
0x6a: {  	_ =	shalt  }
0x6b: {  	_ =	shalt  }
0x6c: {  	_ =	shalt  }
0x6d: {  	_ =	shalt  }
0x6e: {  	_ =	shalt  }
0x6f: {  	_ =	shalt  }
0x70: {  	_ =	shalt  }
0x71: {  	_ =	shalt  }
0x72: {  	_ =	shalt  }
0x73: {  	_ =	shalt  }
0x74: {  	_ =	shalt  }
0x75: {  	_ =	shalt  }
0x76: {  	_ =	shalt  }
0x77: {  	_ =	shalt  }
0x78: {  	_ =	shalt  }
0x79: {  	_ =	shalt  }
0x7a: {  	_ =	shalt  }
0x7b: {  	_ =	shalt  }
0x7c: {  	_ =	shalt  }
0x7d: {  	_ =	shalt  }
0x7e: {  	_ =	shalt  }
0x7f: {  	_ =	shalt  }
0x80: {  	_ =	shalt  }
0x81: {  	_ =	shalt  }
0x82: {  	_ =	shalt  }
0x83: {  	_ =	shalt  }
0x84: {  	_ =	shalt  }
0x85: {  	_ =	shalt  }
0x86: {  	_ =	shalt  }
0x87: {  	_ =	shalt  }
.Lfunc_end0:
.L_simem_size_0:
called_computation_lowered:
.L_overlay_start_0:
0x88: {  	s2 =	sld [smem:$0x3FD9]  }
0x89: {  	s3 =	sld [smem:$0x3FFE];
	_ =	sdelay $0x1  }
0x8a: {  	s1 =	srdreg.scid  }
0x8b: {  	s0 =	sand.u32 $0x1, s1  }
0x8c: {  	s17 =	sshll.u32 s0, $0xA;
	s2 =	sadd.s32 s3, s2  }
0x8d: {  	s2 =	sadd.s32 s2, s17  }
0x8e: {  	[smem:$0x3FC0] =	sst s2  }
0x8f: {  	_ = 	snop  }
0x90: {  	s2 =	sld [smem:$0x3FC8];
	(tm) =	ssettm $0x1  }
0x91: {  	s18 =	sld [smem:$0x3FFB];
	_ =	sdelay $0x3  }
0x92: {  	_ =	strace s18  }
0x93: {  	s3 =	sld [smem:$0x3FFC];
	_ =	sdelay $0x3  }
0x94: {  	_ =	strace s3  }
0x95: {  	s3 =	sld [smem:$0x3FFD];
	_ =	sdelay $0x3  }
0x96: {  	_ =	strace s3  }
0x97: {  	_ =	strace $0x8FFFFFFF  }
0x98: {  	s19 =	sld [smem:$0x3FDB];
	_ =	sdelay $0x1  }
0x99: {  	s4 =	simm.s32 $_scs_section_size  }
0x9a: {  	s5 =	simm.s32 $_size__tile_overlayer_lowered;
	s6 =	simm.s32 $_tile_overlayer_lowered  }
0x9b: {  	s22 =	simm.s32 $0x1BFF;
	s21 =	sshll.u32 s6, $0x1;
	s3 =	sadd.s32 s4, s19  }
0x9c: {  	s7 =	simm.s32 $0x0;
	s20 =	sshll.u32 s5, $0x1;
	s5 =	sadd.s32 s21, s3  }
0x9d: {  	[timem:s7], [sflag:s22] =	dma.local [hbm:s5], s20  }
0x9e: {  	_ =	swait.ge [sflag:s22], s20  }
0x9f: {  	s4 =	ssub.s32 $0x0, s20;
	[sflag:s22] =	ssyncset.done $0x0  }
0xa0: {  	[sflag:s22] =	ssyncadd.s32 s4;
	_ =	sdelay $0x1  }
0xa1: {  	s23 =	simm.s32 $0x1B8B  }
0xa2: {  	_ =	swait.ge [sflag:s23], $0x1  }
0xa3: {  	[sflag:s23] =	ssyncset.done $0x0  }
0xa4: {  	s25 =	simm.s32 $0x1B8E;
	s24 =	sld [smem:$0x3FFE];
	[sflag:s23] =	ssyncadd.s32 $0xFFFFFFFF  }
0xa5: {  	s26 =	simm.s32 $execute0_lowered;
	[smem:$0x3FD2] =	sst s25  }
0xa6: {  	s5 =	sshll.u32 s26, $0x1;
	_ =	strace $0x80000046;
	[dreg:$0x1] =	wrdreg $0xFFFFFFFF  }
0xa7: {  	s28 =	simm.s32 $_size_execute0_lowered;
	s3 =	sadd.s32 s3, s5;
	[dreg:$0x0] =	wrdreg $0x0  }
0xa8: {  	s5 =	sshll.u32 s28, $0x1;
	[dreg:$0x2] =	wrdreg s3  }
0xa9: {  	[dreg:$0x3] =	wrdreg s5  }
0xaa: {  	[dreg:$0x4] =	wrdreg $0xC0  }
0xab: {  	_ =	task [dreg:s7], $0x5FFFF  }
0xac: {  	[dreg:$0x1] =	wrdreg $0xFFFFFFFF  }
0xad: {  	[dreg:$0x0] =	wrdreg $0x60  }
0xae: {  	[dreg:$0x2] =	wrdreg s2  }
0xaf: {  	[dreg:$0x3] =	wrdreg s24  }
0xb0: {  	[dreg:$0x4] =	wrdreg $0x9  }
0xb1: {  	_ =	task.clear_ibuf [dreg:s7], $0x5FFFF;
	_ =	strace $0x90000046  }
0xb2: {  	s29 =	simm.s32 $0x9;
	_ =	strace $0x80000048  }
0xb3: {  	_ =	swait.ge [sflag:s29], $0x1  }
0xb4: {  	[sflag:s29] =	ssyncadd.s32 $0xFFFFFFFF  }
0xb5: {  	_ =	strace $0x90000048  }
0xb6: {  	_ =	sfence  }
0xb7: {  	s30 =	sld [smem:$0x0];
	_ =	sdelay $0x2  }
0xb8: {  	s31 =	sshll.u32 s1, $0xD;
	s1 =	sshrl.u32 s1, $0x2  }
0xb9: {  	s3 =	sand.u32 $0x4000, s31;
	s1 =	sadd.s32 s1, s30  }
0xba: {  	s0 =	sor.u32 s3, s0;
	s1 =	sshll.u32 s1, $0x11  }
0xbb: {  	s0 =	sor.u32 s1, s0  }
0xbc: {  	s0 =	sadd.s32 $0x8F2B, s0  }
0xbd: {  	[sflag:s0] =	ssyncadd.remote.s32 $0x1  }
0xbe: {  	_ =	sfence.sel $0xFFFF  }
0xbf: {  	[dreg:$0x0] =	wrdreg $0xFFFFFFFF;
	(pc) =	sbr.abs _section_cstart, $3  }
0xc0: {  	[dreg:$0x1] =	wrdreg $0xFFFFFFFF  }
0xc1: {  	_ =	task.clear_ibuf [dreg:s7], $0x2FFFF;
	_ =	strace $0x9FFFFFFF  }
0xc2: {  	(tm) =	ssettm $0x7FFFFFFF  }
0xc3: {  	_ =	shalt  }
tec
execute0_lowered:
.L_overlay_start_1:
0x0: {  	(tag) =	ssettag $0x1  }
0x1: {  	s0 =	srdreg.scid;
	s5 =	rddreg [dreg:$0x0]  }
0x2: {  	s6 =	rddreg [dreg:$0x1];
	s2 =	simm.s32 $0x0;
	s4 =	sand.u32 $0x1, s0  }
0x3: {  	s10 =	simm.s32 $0x400;
	s0 =	stileid.u32;
	s1 =	sshll.u32 s4, $0x4  }
0x4: {  	[smem:$0x7FF] =	sst s2;
	s8 =	sshll.u32 s0, $0x7;
	s7 =	sor.u32 s0, s1  }
0x5: {  	s4 =	ssub.s32 $0x2, s4;
	s3 =	sshrl.u32 s7, $0x3;
	s9 =	smul.u32 $0xA00, s7  }
0x6: {  	s1 =	rddreg [dreg:$0x2];
	s8 =	sand.u32 $0x380, s8;
	s3 =	smul.u32 $0x14000, s3  }
0x7: {  	_ =	strace $0x80000047;
	s31 =	sshrl.u32 s4, $0x1;
	p0 =	seq.s32 s7, $0x1F  }
0x8: {  	s7 =	simm.s32 $0x1;
	s5 =	sadd.s32 s9, s5;
	s8 =	sor.u32 s8, s3  }
0x9: {  	s9 =	simm.s32 $0x80;
	s3 =	sadd.s32 $0x2A00, s6;
	s8 =	sshrl.u32 s8, $0x3  }
0xa: {  	s6 =	sadd.s32 s8, s6;
	s8 =	ssub.s32 s4, s31;
	s4 =	sadd.s32 $0x10, s5  }
0xb: {  	v0 =	vimm.f32 $0.0e+00;
	v1 =	vimm.f32 $1.000000000e+00;
	s5 =	sadd.s32 $0x3600, s6;
	s6 =	smax.u32 s8, $0x1;
	s8 =	simm.s32 $0x2800  }
.LBB2_1:
0xc: {  	s11 =	simm.s32 $0x2840  }
0xd: {  	[tilespmem:s11+$0xFFFFFFC0] =	vst v0  }
0xe: {  	[tilespmem:s11+$0x30] =	vst v0  }
0xf: {  	[tilespmem:s11+$0x20] =	vst v0  }
0x10: {  	[tilespmem:s11+$0x10] =	vst v0  }
0x11: {  	[tilespmem:s11+$0x0] =	vst v0  }
0x12: {  	[tilespmem:s11+$0xFFFFFFF0] =	vst v0  }
0x13: {  	s12 =	simm.s32 $0x0;
	[tilespmem:s11+$0xFFFFFFE0] =	vst v0  }
.LBB2_2:
0x14: {  	s12 =	sadd.s32 $0x8, s12;
	[tilespmem:s11+$0xFFFFFFD0] =	vst v0;
	s11 =	sadd.s32 $0x80, s11  }
0x15: {  	[tilespmem:s11+$0xFFFFFFC0] =	vst v0;
	p1 =	slt.u32 s12, $0x278  }
0x16: {  	[tilespmem:s11+$0x30] =	vst v0  }
.Ltmp0:
0x17: {  	[tilespmem:s11+$0x20] =	vst v0;
	(pc) =	sbr.rel @p1 .LBB2_2-.Ltmp0, $4  }
0x18: {  	[tilespmem:s11+$0x10] =	vst v0  }
0x19: {  	[tilespmem:s11+$0x0] =	vst v0  }
0x1a: {  	[tilespmem:s11+$0xFFFFFFF0] =	vst v0  }
0x1b: {  	[tilespmem:s11+$0xFFFFFFE0] =	vst v0  }
0x1c: {  	[tilespmem:s11+$0xFFFFFFD0] =	vst v0;
	s11 =	simm.s32 @p0 $0x0  }
0x1d: {  	[tilespmem:s11], [sflag:$0x1] =	stream.linear.gather @p0 [hbm4b:s3+s11], $0x2800, $0x38;
	[tilespmem:$0x5000] =	vst v63  }
0x1e: {  	s12 =	simm.s32 @!p0 $0x100;
	s13 =	simm.s32 @!p0 $0x0;
	s11 =	simm.s32 @!p0 $0x80  }
0x1f: {  	[tilespmem:s13], [sflag:$0x1] =	stream.strided.gather @!p0 [hbm4b:s4+s11], $0x2800, s12, s11, $0x38;
	[tilespmem:$0x5000] =	vst v63  }
0x20: {  	_ =	swait.ge [sflag:s7], $0x2800  }
0x21: {  	[sflag:s7] =	ssyncset.done $0x0  }
0x22: {  	s11 =	simm.s32 $0xFFFFFFF8;
	s12 =	simm.s32 $0x40;
	[sflag:s7] =	ssyncadd.s32 $0xFFFFD800  }
.LBB2_4:
0x23: {  	v2 =	vld [tilespmem:s12+$0xFFFFFFC0];
	_ =	sdelay $0x7  }
0x24: {  	[tilespmem:v2+s8+$0x0] =	vst.idx.add.f32.msk $0xffff, v1  }
0x25: {  	v2 =	vld [tilespmem:s12+$0xFFFFFFD0];
	_ =	sdelay $0x7  }
0x26: {  	[tilespmem:v2+s8+$0x0] =	vst.idx.add.f32.msk $0xffff, v1  }
0x27: {  	v2 =	vld [tilespmem:s12+$0xFFFFFFE0];
	_ =	sdelay $0x7  }
0x28: {  	[tilespmem:v2+s8+$0x0] =	vst.idx.add.f32.msk $0xffff, v1  }
0x29: {  	v2 =	vld [tilespmem:s12+$0xFFFFFFF0];
	_ =	sdelay $0x7  }
0x2a: {  	[tilespmem:v2+s8+$0x0] =	vst.idx.add.f32.msk $0xffff, v1  }
0x2b: {  	v2 =	vld [tilespmem:s12+$0x0];
	_ =	sdelay $0x7  }
0x2c: {  	[tilespmem:v2+s8+$0x0] =	vst.idx.add.f32.msk $0xffff, v1  }
0x2d: {  	v2 =	vld [tilespmem:s12+$0x10];
	_ =	sdelay $0x7  }
0x2e: {  	[tilespmem:v2+s8+$0x0] =	vst.idx.add.f32.msk $0xffff, v1  }
0x2f: {  	v2 =	vld [tilespmem:s12+$0x20];
	_ =	sdelay $0x7  }
0x30: {  	[tilespmem:v2+s8+$0x0] =	vst.idx.add.f32.msk $0xffff, v1  }
0x31: {  	v2 =	vld [tilespmem:s12+$0x30];
	_ =	sdelay $0x1  }
0x32: {  	s11 =	sadd.s32 $0x8, s11  }
0x33: {  	p1 =	slt.u32 s11, $0x278  }
.Ltmp1:
0x34: {  	_ = 	snop;
	(pc) =	sbr.rel @p1 .LBB2_4-.Ltmp1, $2  }
0x35: {  	_ =	sdelay $0x2  }
0x36: {  	s12 =	sadd.s32 $0x80, s12;
	[tilespmem:v2+s8+$0x0] =	vst.idx.add.f32.msk $0xffff, v1  }
0x37: {  	s2 =	sadd.s32 $0x1, s2  }
0x38: {  	p1 =	sne.s32 s2, s6  }
.Ltmp2:
0x39: {  	_ = 	snop;
	(pc) =	sbr.rel @p1 .LBB2_1-.Ltmp2, $4  }
0x3a: {  	[hbm4b:s5+s9] =	stream.strided.scatter [tilespmem:s8], [sflag:$0x1], $0x2800, s10, s9, $0x38;
	[tilespmem:$0x5000] =	vst v63  }
0x3b: {  	_ =	swait.ge [sflag:s7], $0x2800  }
0x3c: {  	[sflag:s7] =	ssyncset.done $0x0  }
0x3d: {  	[sflag:s7] =	ssyncadd.s32 $0xFFFFD800  }
0x3e: {  	_ =	sfence.sel $0x180000  }
0x3f: {  	[bflag:$0x0] =	sbarrier.arrive $0xFFFF  }
0x40: {  	p0 =	sne.s32 s0, $0x0;
	_ =	strace $0x90000047  }
0x41: {  	s0 =	sadd.s32 @!p0 $0x100000, s1;
	[bflag:$0x2] =	sbarrier.arrive $0xFFFF  }
0x42: {  	[sflag:s0] =	ssyncadd.tile.s32 @!p0 $0x1;
	_ =	shalt  }
.Lfunc_end2:
_tile_overlayer_lowered:
.L_overlay_start_2:
0x43: {  	(tag) =	ssettag $0x2  }
0x44: {  	s0 =	rddreg [dreg:$0x0];
	s2 =	stileid.u32  }
0x45: {  	s1 =	rddreg [dreg:$0x1];
	p0 =	sne.s32 s2, $0x0  }
0x46: {  	s3 =	rddreg [dreg:$0x2];
	[bflag:$0x3] =	sbarrier.arrive $0xFFFF;
	s2 =	simm.s32 @!p0 $0x1C01  }
0x47: {  	[timem:s3], [sflag:s2] =	dma.local @!p0 [hbm:s0], s1  }
0x48: {  	s0 =	simm.s32 @!p0 $0x1  }
0x49: {  	_ =	swait.ge @!p0 [sflag:s0], s1  }
0x4a: {  	s1 =	ssub.s32 @!p0 $0x0, s1;
	[sflag:s0] =	ssyncset.done @!p0 $0x0  }
0x4b: {  	[sflag:s0] =	ssyncadd.s32 @!p0 s1  }
0x4c: {  	[bflag:$0x3] =	sbarrier.arrive $0xFFFF  }
0x4d: {  	_ =	shalt  }

</sc_bundles>
